<compile_context>
chip_gen: v7x
topology: tpu7x:2x2x1
jax: 0.10.2.dev20260603
libtpu: 0.0.44.dev20260713+nightly
codegen_flags: <defaults>
</compile_context>

<pallas_src>
import functools

import jax
import jax.numpy as jnp
from jax import lax
from jax.experimental import pallas as pl
from jax.experimental.pallas import tpu as pltpu
from jax.experimental.pallas import tpu_sc as plsc

NC = 2
NS = 16
NW = NC * NS
L = 16

CHUNK = 1024
GFAN = 128
TW = 8


def _make_kernel(n, h, w, c):
    per_worker = n // NW
    n_chunks = per_worker // CHUNK
    assert per_worker % CHUNK == 0 and CHUNK % (8 * L) == 0

    mesh = plsc.VectorSubcoreMesh(
        core_axis_name="c", subcore_axis_name="s",
        num_cores=NC, num_subcores=NS)

    @functools.partial(
        pl.kernel,
        out_type=jax.ShapeDtypeStruct((n * c,), jnp.float32),
        mesh=mesh,
        scratch_types=dict(
            xs_v=pltpu.VMEM((CHUNK * 2,), jnp.float32),
            i0=pltpu.VMEM((CHUNK,), jnp.int32),
            i1=pltpu.VMEM((CHUNK,), jnp.int32),
            fxv=pltpu.VMEM((CHUNK,), jnp.float32),
            fyv=pltpu.VMEM((CHUNK,), jnp.float32),
            t0=pltpu.VMEM((CHUNK, TW), jnp.float32),
            t1=pltpu.VMEM((CHUNK, TW), jnp.float32),
            out_v=pltpu.VMEM((CHUNK * c,), jnp.float32),
            sem=pltpu.SemaphoreType.DMA,
        ),
        compiler_params=pltpu.CompilerParams(
            needs_layout_passes=False, use_tc_tiling_on_sc=False),
    )
    def image_kernel(xs_hbm, table_hbm, out_hbm, *, xs_v,
                     i0, i1, fxv, fyv, t0, t1, out_v, sem):
        wid = lax.axis_index("s") * NC + lax.axis_index("c")
        base0 = wid * per_worker
        wf = jnp.float32(w)
        hf = jnp.float32(h)

        def chunk_body(ci, carry):
            base = base0 + ci * CHUNK
            pltpu.sync_copy(xs_hbm.at[pl.ds(base * 2, CHUNK * 2)], xs_v)

            iota = lax.iota(jnp.int32, L)

            def phase1(i, carry):
                p2 = (i * L + iota) * 2
                x = plsc.load_gather(xs_v, [p2])
                y = plsc.load_gather(xs_v, [p2 + 1])
                sx = x * wf
                sy = y * hf
                xi = sx.astype(jnp.int32)
                yi = sy.astype(jnp.int32)
                fx = sx - xi.astype(jnp.float32)
                fy = sy - yi.astype(jnp.float32)
                x0 = jnp.clip(xi, 0, w - 1)
                y0 = jnp.clip(yi, 0, h - 1)
                fx = jnp.where(x0 == w - 1, jnp.float32(1.0), fx)
                fy = jnp.where(y0 == h - 1, jnp.float32(1.0), fy)
                x0 = jnp.minimum(x0, w - 2)
                y0 = jnp.minimum(y0, h - 2)
                b0 = y0 * w + x0
                sl = pl.ds(i * L, L)
                i0[sl] = b0
                i1[sl] = b0 + w
                fxv[sl] = fx
                fyv[sl] = fy
                return carry

            lax.fori_loop(0, CHUNK // L, phase1, 0, unroll=2)

            descs = []
            for j in range(CHUNK // GFAN):
                sl = pl.ds(j * GFAN, GFAN)
                for iv, tv in ((i0, t0), (i1, t1)):
                    descs.append(
                        pltpu.async_copy(table_hbm.at[iv.at[sl]], tv.at[sl], sem))
            for d in descs:
                d.wait()

            def phase3(i, carry):
                p = i * L + iota
                pc = p * c
                sl = pl.ds(i * L, L)
                fx = fxv[sl]
                fy = fyv[sl]
                gx = 1.0 - fx
                gy = 1.0 - fy
                for ch in range(c):
                    cv = jnp.full((L,), ch, jnp.int32)
                    cv3 = jnp.full((L,), ch + c, jnp.int32)
                    top = (plsc.load_gather(t0, [p, cv]) * gx
                           + plsc.load_gather(t0, [p, cv3]) * fx)
                    bot = (plsc.load_gather(t1, [p, cv]) * gx
                           + plsc.load_gather(t1, [p, cv3]) * fx)
                    plsc.store_scatter(out_v, [pc + cv], top * gy + bot * fy)
                return carry

            lax.fori_loop(0, CHUNK // L, phase3, 0, unroll=2)

            pltpu.sync_copy(out_v, out_hbm.at[pl.ds(base * c, CHUNK * c)])
            return carry

        lax.fori_loop(0, n_chunks, chunk_body, 0)

    return image_kernel


@jax.jit
def kernel(xs, data):
    h, w, c = data.shape
    n = xs.shape[0]
    table = data.reshape(h * w, c)
    nxt = jnp.concatenate([table[1:], table[:1]], axis=0)
    pair = jnp.concatenate(
        [table, nxt, jnp.zeros((h * w, TW - 2 * c), table.dtype)], axis=1)
    out_flat = _make_kernel(n, h, w, c)(xs.reshape(-1), pair)
    return out_flat.reshape(n, c)

# --- scband reference (transcript-rebuilt; emitter-appended) ---
"""Pipeline reference for scband-image-8358006358028 (READ-ONLY COPY).

The authoritative reference and input builder live on the scoring server;
editing this copy changes nothing except your own understanding.
"""

import jax, jax.numpy as jnp
import numpy as np

H, W, C = 2048, 2048, 3
N = 1048576

def setup_inputs(seed: int = 0) -> dict:
    key = jax.random.key(seed)
    k1, k2 = jax.random.split(key)
    xs = jax.random.uniform(k1, (N, 2), dtype=jnp.float32)
    data = jax.random.uniform(k2, (H, W, C), dtype=jnp.float32)
    return {"xs": xs, "data": data}

def reference(xs, data):
    h, w, c = data.shape
    scale = jnp.array([w, h], dtype=jnp.float32)
    xs_s = xs * scale
    indices = jax.lax.stop_gradient(xs_s).astype(jnp.int32)
    x0 = jnp.clip(indices[:, 0], 0, w - 1)
    y0 = jnp.clip(indices[:, 1], 0, h - 1)
    lerp = xs_s - indices.astype(jnp.float32)
    x1 = jnp.minimum(x0 + 1, w - 1)
    y1 = jnp.minimum(y0 + 1, h - 1)
    wx = lerp[:, 0:1]
    wy = lerp[:, 1:2]
    out = (data[y0, x0] * (1.0 - wx) * (1.0 - wy)
           + data[y0, x1] * wx * (1.0 - wy)
           + data[y1, x0] * (1.0 - wx) * wy
           + data[y1, x1] * wx * wy)
    return out

if __name__ == "__main__":
    import jax
    _d = setup_inputs()
    print(jax.jit(kernel)(*tuple(_d.values())))

</pallas_src>

<mosaic_0001>
#map = affine_map<(d0, d1) -> (0)>
#map1 = affine_map<(d0, d1) -> (0, 0)>
module attributes {stable_mosaic.version = 14 : i64} {
  func.func @image_kernel(%arg0: i32, %arg1: i32, %arg2: memref<2097152xf32, #tpu.memory_space<hbm>>, %arg3: memref<4194304x8xf32, #tpu.memory_space<hbm>>, %arg4: memref<3145728xf32, #tpu.memory_space<hbm>>, %arg5: memref<1024xf32, #tpu.memory_space<vmem>>, %arg6: memref<1024xf32, #tpu.memory_space<vmem>>, %arg7: memref<1024xi32, #tpu.memory_space<vmem>>, %arg8: memref<1024xi32, #tpu.memory_space<vmem>>, %arg9: memref<3072xf32, #tpu.memory_space<vmem>>, %arg10: memref<!tpu.dma_semaphore, #tpu.memory_space<semaphore_mem>>, %arg11: memref<1024x8xf32, #tpu.memory_space<vmem>>, %arg12: memref<1024x8xf32, #tpu.memory_space<vmem>>, %arg13: memref<2048xf32, #tpu.memory_space<vmem>>) attributes {dimension_semantics = [#tpu.dimension_semantics<core_parallel>, #tpu.dimension_semantics<subcore_parallel>], iteration_bounds = array<i64: 2, 16>, scalar_prefetch = 0 : i64, scratch_operands = 9 : i64, tpu.core_type = #tpu.core_type<sc_vector_subcore>, window_params = [{transform_indices = #map}, {transform_indices = #map1}, {transform_indices = #map}]} {
    %mul3A = arith.constant 2 : i32
    %mul3A_0 = arith.muli %arg1, %mul3A : i32
    %add3A = arith.addi %mul3A_0, %arg0 : i32
    %mul3A_1 = arith.constant 32768 : i32
    %mul3A_2 = arith.muli %add3A, %mul3A_1 : i32
    %scan3A = arith.constant 0 : i32
    %scan3A_3 = arith.constant 2.048000e+03 : f32
    %scan3A_4 = arith.constant 2.048000e+03 : f32
    %scan3A_5 = arith.constant 0 : i32
    %scan3A_6 = arith.constant 32 : i32
    %scan3A_7 = arith.addi %scan3A_5, %scan3A_6 : i32
    %scan3A_8 = arith.constant 1 : i32
    scf.for %scan3A_10 = %scan3A_5 to %scan3A_7 step %scan3A_8  : i32 {
      %mul3A_11 = arith.constant 1024 : i32
      %mul3A_12 = arith.muli %scan3A_10, %mul3A_11 : i32
      %add3A_13 = arith.addi %mul3A_2, %mul3A_12 : i32
      %mul3A_14 = arith.constant 2 : i32
      %mul3A_15 = arith.muli %add3A_13, %mul3A_14 : i32
      "tpu.region"() ({
        %run_scoped3A = tpu.sem_alloc : memref<!tpu.dma_semaphore, #tpu.memory_space<semaphore_mem>>
        %dma_start3A_284 = tpu.memref_slice %arg2[%mul3A_15] : memref<2097152xf32, #tpu.memory_space<hbm>> -> memref<2048xf32, #tpu.memory_space<hbm>>
        %dma_start3A_285 = tpu.memref_slice %arg2[%mul3A_15] : memref<2097152xf32, #tpu.memory_space<hbm>> -> memref<2048xf32, #tpu.memory_space<hbm>>
        tpu.enqueue_dma source(%dma_start3A_285 : memref<2048xf32, #tpu.memory_space<hbm>>) target(%arg13 : memref<2048xf32, #tpu.memory_space<vmem>>) target_semaphore(%run_scoped3A : memref<!tpu.dma_semaphore, #tpu.memory_space<semaphore_mem>>)
        %dma_wait3A_286 = tpu.memref_slice %arg2[%mul3A_15] : memref<2097152xf32, #tpu.memory_space<hbm>> -> memref<2048xf32, #tpu.memory_space<hbm>>
        %dma_wait3A_287 = tpu.memref_slice %arg2[%mul3A_15] : memref<2097152xf32, #tpu.memory_space<hbm>> -> memref<2048xf32, #tpu.memory_space<hbm>>
        tpu.wait_dma2 semaphore(%run_scoped3A : memref<!tpu.dma_semaphore, #tpu.memory_space<semaphore_mem>>) src(%dma_wait3A_287 : memref<2048xf32, #tpu.memory_space<hbm>>) dst(%arg13 : memref<2048xf32, #tpu.memory_space<vmem>>)
        tpu.yield
      }) : () -> ()
      %iota3A = tpu.iota {dimensions = array<i32: 0>} : vector<16xi32>
      %scan3A_16 = arith.constant 0 : i32
      %scan3A_17 = arith.constant 0 : i32
      %scan3A_18 = arith.constant 64 : i32
      %scan3A_19 = arith.addi %scan3A_17, %scan3A_18 : i32
      %scan3A_20 = arith.constant 2 : i32
      scf.for %scan3A_284 = %scan3A_17 to %scan3A_19 step %scan3A_20  : i32 {
        %mul3A_285 = arith.constant 16 : i32
        %mul3A_286 = arith.muli %scan3A_284, %mul3A_285 : i32
        %add3A_287 = vector.broadcast %mul3A_286 : i32 to vector<16xi32>
        %add3A_288 = arith.addi %add3A_287, %iota3A : vector<16xi32>
        %mul3A_289 = arith.constant 2 : i32
        %mul3A_290 = vector.broadcast %mul3A_289 : i32 to vector<16xi32>
        %mul3A_291 = arith.muli %add3A_288, %mul3A_290 : vector<16xi32>
        %gather3A = tpu.vector_load_idx %arg13[%mul3A_291] : memref<2048xf32, #tpu.memory_space<vmem>>[vector<16xi32>], vector<16xf32>,
        %add3A_292 = arith.constant 1 : i32
        %add3A_293 = vector.broadcast %add3A_292 : i32 to vector<16xi32>
        %add3A_294 = arith.addi %mul3A_291, %add3A_293 : vector<16xi32>
        %gather3A_295 = tpu.vector_load_idx %arg13[%add3A_294] : memref<2048xf32, #tpu.memory_space<vmem>>[vector<16xi32>], vector<16xf32>,
        %mul3A_296 = vector.broadcast %scan3A_3 : f32 to vector<16xf32>
        %mul3A_297 = arith.mulf %gather3A, %mul3A_296 : vector<16xf32>
        %mul3A_298 = vector.broadcast %scan3A_4 : f32 to vector<16xf32>
        %mul3A_299 = arith.mulf %gather3A_295, %mul3A_298 : vector<16xf32>
        %convert_element_type3A = arith.fptosi %mul3A_297 : vector<16xf32> to vector<16xi32>
        %convert_element_type3A_300 = arith.fptosi %mul3A_299 : vector<16xf32> to vector<16xi32>
        %convert_element_type3A_301 = arith.sitofp %convert_element_type3A : vector<16xi32> to vector<16xf32>
        %sub3A = arith.subf %mul3A_297, %convert_element_type3A_301 : vector<16xf32>
        %convert_element_type3A_302 = arith.sitofp %convert_element_type3A_300 : vector<16xi32> to vector<16xf32>
        %sub3A_303 = arith.subf %mul3A_299, %convert_element_type3A_302 : vector<16xf32>
        %jit3A = arith.constant 0 : i32
        %jit3A_304 = arith.constant 2047 : i32
        %max3A = vector.broadcast %jit3A : i32 to vector<16xi32>
        %max3A_305 = arith.maxsi %max3A, %convert_element_type3A : vector<16xi32>
        %min3A = vector.broadcast %jit3A_304 : i32 to vector<16xi32>
        %min3A_306 = arith.minsi %min3A, %max3A_305 : vector<16xi32>
        %jit3A_307 = arith.constant 0 : i32
        %jit3A_308 = arith.constant 2047 : i32
        %max3A_309 = vector.broadcast %jit3A_307 : i32 to vector<16xi32>
        %max3A_310 = arith.maxsi %max3A_309, %convert_element_type3A_300 : vector<16xi32>
        %min3A_311 = vector.broadcast %jit3A_308 : i32 to vector<16xi32>
        %min3A_312 = arith.minsi %min3A_311, %max3A_310 : vector<16xi32>
        %eq3A = arith.constant 2047 : i32
        %eq3A_313 = vector.broadcast %eq3A : i32 to vector<16xi32>
        %eq3A_314 = arith.cmpi eq, %min3A_306, %eq3A_313 : vector<16xi32>
        %jit3A_315 = arith.constant 1.000000e+00 : f32
        %broadcast_in_dim3A = vector.broadcast %jit3A_315 : f32 to vector<16xf32>
        %select_n3A = arith.select %eq3A_314, %broadcast_in_dim3A, %sub3A : vector<16xi1>, vector<16xf32>
        %eq3A_316 = arith.constant 2047 : i32
        %eq3A_317 = vector.broadcast %eq3A_316 : i32 to vector<16xi32>
        %eq3A_318 = arith.cmpi eq, %min3A_312, %eq3A_317 : vector<16xi32>
        %jit3A_319 = arith.constant 1.000000e+00 : f32
        %broadcast_in_dim3A_320 = vector.broadcast %jit3A_319 : f32 to vector<16xf32>
        %select_n3A_321 = arith.select %eq3A_318, %broadcast_in_dim3A_320, %sub3A_303 : vector<16xi1>, vector<16xf32>
        %min3A_322 = arith.constant 2046 : i32
        %min3A_323 = vector.broadcast %min3A_322 : i32 to vector<16xi32>
        %min3A_324 = arith.minsi %min3A_306, %min3A_323 : vector<16xi32>
        %min3A_325 = arith.constant 2046 : i32
        %min3A_326 = vector.broadcast %min3A_325 : i32 to vector<16xi32>
        %min3A_327 = arith.minsi %min3A_312, %min3A_326 : vector<16xi32>
        %mul3A_328 = arith.constant 2048 : i32
        %mul3A_329 = vector.broadcast %mul3A_328 : i32 to vector<16xi32>
        %mul3A_330 = arith.muli %min3A_327, %mul3A_329 : vector<16xi32>
        %add3A_331 = arith.addi %mul3A_330, %min3A_324 : vector<16xi32>
        %mul3A_332 = arith.constant 16 : i32
        %mul3A_333 = arith.muli %scan3A_284, %mul3A_332 : i32
        %swap3A = arith.index_cast %mul3A_333 : i32 to index
        %swap3A_334 = tpu.vector_load %arg7[%swap3A] {strides = array<i32>} : memref<1024xi32, #tpu.memory_space<vmem>>, vector<16xi32>,
        tpu.vector_store %arg7[%swap3A], %add3A_331 {strides = array<i32>} : memref<1024xi32, #tpu.memory_space<vmem>>, vector<16xi32>,
        %add3A_335 = arith.constant 2048 : i32
        %add3A_336 = vector.broadcast %add3A_335 : i32 to vector<16xi32>
        %add3A_337 = arith.addi %add3A_331, %add3A_336 : vector<16xi32>
        %swap3A_338 = arith.index_cast %mul3A_333 : i32 to index
        %swap3A_339 = tpu.vector_load %arg8[%swap3A_338] {strides = array<i32>} : memref<1024xi32, #tpu.memory_space<vmem>>, vector<16xi32>,
        tpu.vector_store %arg8[%swap3A_338], %add3A_337 {strides = array<i32>} : memref<1024xi32, #tpu.memory_space<vmem>>, vector<16xi32>,
        %swap3A_340 = arith.index_cast %mul3A_333 : i32 to index
        %swap3A_341 = tpu.vector_load %arg5[%swap3A_340] {strides = array<i32>} : memref<1024xf32, #tpu.memory_space<vmem>>, vector<16xf32>,
        tpu.vector_store %arg5[%swap3A_340], %select_n3A {strides = array<i32>} : memref<1024xf32, #tpu.memory_space<vmem>>, vector<16xf32>,
        %swap3A_342 = arith.index_cast %mul3A_333 : i32 to index
        %swap3A_343 = tpu.vector_load %arg6[%swap3A_342] {strides = array<i32>} : memref<1024xf32, #tpu.memory_space<vmem>>, vector<16xf32>,
        tpu.vector_store %arg6[%swap3A_342], %select_n3A_321 {strides = array<i32>} : memref<1024xf32, #tpu.memory_space<vmem>>, vector<16xf32>,
        %scan3A_344 = arith.constant 1 : i32
        %scan3A_345 = arith.addi %scan3A_284, %scan3A_344 : i32
        %mul3A_346 = arith.constant 16 : i32
        %mul3A_347 = arith.muli %scan3A_345, %mul3A_346 : i32
        %add3A_348 = vector.broadcast %mul3A_347 : i32 to vector<16xi32>
        %add3A_349 = arith.addi %add3A_348, %iota3A : vector<16xi32>
        %mul3A_350 = arith.constant 2 : i32
        %mul3A_351 = vector.broadcast %mul3A_350 : i32 to vector<16xi32>
        %mul3A_352 = arith.muli %add3A_349, %mul3A_351 : vector<16xi32>
        %gather3A_353 = tpu.vector_load_idx %arg13[%mul3A_352] : memref<2048xf32, #tpu.memory_space<vmem>>[vector<16xi32>], vector<16xf32>,
        %add3A_354 = arith.constant 1 : i32
        %add3A_355 = vector.broadcast %add3A_354 : i32 to vector<16xi32>
        %add3A_356 = arith.addi %mul3A_352, %add3A_355 : vector<16xi32>
        %gather3A_357 = tpu.vector_load_idx %arg13[%add3A_356] : memref<2048xf32, #tpu.memory_space<vmem>>[vector<16xi32>], vector<16xf32>,
        %mul3A_358 = vector.broadcast %scan3A_3 : f32 to vector<16xf32>
        %mul3A_359 = arith.mulf %gather3A_353, %mul3A_358 : vector<16xf32>
        %mul3A_360 = vector.broadcast %scan3A_4 : f32 to vector<16xf32>
        %mul3A_361 = arith.mulf %gather3A_357, %mul3A_360 : vector<16xf32>
        %convert_element_type3A_362 = arith.fptosi %mul3A_359 : vector<16xf32> to vector<16xi32>
        %convert_element_type3A_363 = arith.fptosi %mul3A_361 : vector<16xf32> to vector<16xi32>
        %convert_element_type3A_364 = arith.sitofp %convert_element_type3A_362 : vector<16xi32> to vector<16xf32>
        %sub3A_365 = arith.subf %mul3A_359, %convert_element_type3A_364 : vector<16xf32>
        %convert_element_type3A_366 = arith.sitofp %convert_element_type3A_363 : vector<16xi32> to vector<16xf32>
        %sub3A_367 = arith.subf %mul3A_361, %convert_element_type3A_366 : vector<16xf32>
        %jit3A_368 = arith.constant 0 : i32
        %jit3A_369 = arith.constant 2047 : i32
        %max3A_370 = vector.broadcast %jit3A_368 : i32 to vector<16xi32>
        %max3A_371 = arith.maxsi %max3A_370, %convert_element_type3A_362 : vector<16xi32>
        %min3A_372 = vector.broadcast %jit3A_369 : i32 to vector<16xi32>
        %min3A_373 = arith.minsi %min3A_372, %max3A_371 : vector<16xi32>
        %jit3A_374 = arith.constant 0 : i32
        %jit3A_375 = arith.constant 2047 : i32
        %max3A_376 = vector.broadcast %jit3A_374 : i32 to vector<16xi32>
        %max3A_377 = arith.maxsi %max3A_376, %convert_element_type3A_363 : vector<16xi32>
        %min3A_378 = vector.broadcast %jit3A_375 : i32 to vector<16xi32>
        %min3A_379 = arith.minsi %min3A_378, %max3A_377 : vector<16xi32>
        %eq3A_380 = arith.constant 2047 : i32
        %eq3A_381 = vector.broadcast %eq3A_380 : i32 to vector<16xi32>
        %eq3A_382 = arith.cmpi eq, %min3A_373, %eq3A_381 : vector<16xi32>
        %jit3A_383 = arith.constant 1.000000e+00 : f32
        %broadcast_in_dim3A_384 = vector.broadcast %jit3A_383 : f32 to vector<16xf32>
        %select_n3A_385 = arith.select %eq3A_382, %broadcast_in_dim3A_384, %sub3A_365 : vector<16xi1>, vector<16xf32>
        %eq3A_386 = arith.constant 2047 : i32
        %eq3A_387 = vector.broadcast %eq3A_386 : i32 to vector<16xi32>
        %eq3A_388 = arith.cmpi eq, %min3A_379, %eq3A_387 : vector<16xi32>
        %jit3A_389 = arith.constant 1.000000e+00 : f32
        %broadcast_in_dim3A_390 = vector.broadcast %jit3A_389 : f32 to vector<16xf32>
        %select_n3A_391 = arith.select %eq3A_388, %broadcast_in_dim3A_390, %sub3A_367 : vector<16xi1>, vector<16xf32>
        %min3A_392 = arith.constant 2046 : i32
        %min3A_393 = vector.broadcast %min3A_392 : i32 to vector<16xi32>
        %min3A_394 = arith.minsi %min3A_373, %min3A_393 : vector<16xi32>
        %min3A_395 = arith.constant 2046 : i32
        %min3A_396 = vector.broadcast %min3A_395 : i32 to vector<16xi32>
        %min3A_397 = arith.minsi %min3A_379, %min3A_396 : vector<16xi32>
        %mul3A_398 = arith.constant 2048 : i32
        %mul3A_399 = vector.broadcast %mul3A_398 : i32 to vector<16xi32>
        %mul3A_400 = arith.muli %min3A_397, %mul3A_399 : vector<16xi32>
        %add3A_401 = arith.addi %mul3A_400, %min3A_394 : vector<16xi32>
        %mul3A_402 = arith.constant 16 : i32
        %mul3A_403 = arith.muli %scan3A_345, %mul3A_402 : i32
        %swap3A_404 = arith.index_cast %mul3A_403 : i32 to index
        %swap3A_405 = tpu.vector_load %arg7[%swap3A_404] {strides = array<i32>} : memref<1024xi32, #tpu.memory_space<vmem>>, vector<16xi32>,
        tpu.vector_store %arg7[%swap3A_404], %add3A_401 {strides = array<i32>} : memref<1024xi32, #tpu.memory_space<vmem>>, vector<16xi32>,
        %add3A_406 = arith.constant 2048 : i32
        %add3A_407 = vector.broadcast %add3A_406 : i32 to vector<16xi32>
        %add3A_408 = arith.addi %add3A_401, %add3A_407 : vector<16xi32>
        %swap3A_409 = arith.index_cast %mul3A_403 : i32 to index
        %swap3A_410 = tpu.vector_load %arg8[%swap3A_409] {strides = array<i32>} : memref<1024xi32, #tpu.memory_space<vmem>>, vector<16xi32>,
        tpu.vector_store %arg8[%swap3A_409], %add3A_408 {strides = array<i32>} : memref<1024xi32, #tpu.memory_space<vmem>>, vector<16xi32>,
        %swap3A_411 = arith.index_cast %mul3A_403 : i32 to index
        %swap3A_412 = tpu.vector_load %arg5[%swap3A_411] {strides = array<i32>} : memref<1024xf32, #tpu.memory_space<vmem>>, vector<16xf32>,
        tpu.vector_store %arg5[%swap3A_411], %select_n3A_385 {strides = array<i32>} : memref<1024xf32, #tpu.memory_space<vmem>>, vector<16xf32>,
        %swap3A_413 = arith.index_cast %mul3A_403 : i32 to index
        %swap3A_414 = tpu.vector_load %arg6[%swap3A_413] {strides = array<i32>} : memref<1024xf32, #tpu.memory_space<vmem>>, vector<16xf32>,
        tpu.vector_store %arg6[%swap3A_413], %select_n3A_391 {strides = array<i32>} : memref<1024xf32, #tpu.memory_space<vmem>>, vector<16xf32>,
      }
      %scan3A_21 = arith.constant 64 : i32
      %dma_start3A = arith.constant 0 : i32
      %dma_start3A_22 = arith.constant 0 : i32
      %dma_start3A_23 = tpu.memref_slice %arg11[%dma_start3A, %dma_start3A_22] : memref<1024x8xf32, #tpu.memory_space<vmem>> -> memref<128x8xf32, #tpu.memory_space<vmem>>
      %dma_start3A_24 = arith.constant 0 : i32
      %dma_start3A_25 = tpu.memref_slice %arg7[%dma_start3A_24] : memref<1024xi32, #tpu.memory_space<vmem>> -> memref<128xi32, #tpu.memory_space<vmem>>
      %dma_start3A_26 = arith.constant 0 : i32
      %dma_start3A_27 = arith.constant 0 : i32
      %dma_start3A_28 = tpu.memref_slice %arg3[%dma_start3A_26, %dma_start3A_27] : memref<4194304x8xf32, #tpu.memory_space<hbm>> -> memref<4194304x8xf32, #tpu.memory_space<hbm>>
      tpu.enqueue_indirect_dma source(%dma_start3A_28 : memref<4194304x8xf32, #tpu.memory_space<hbm>>) target(%dma_start3A_23 : memref<128x8xf32, #tpu.memory_space<vmem>>) offsets(%dma_start3A_25 : memref<128xi32, #tpu.memory_space<vmem>>) semaphore(%arg10 : memref<!tpu.dma_semaphore, #tpu.memory_space<semaphore_mem>>)
      %dma_start3A_29 = arith.constant 0 : i32
      %dma_start3A_30 = arith.constant 0 : i32
      %dma_start3A_31 = tpu.memref_slice %arg12[%dma_start3A_29, %dma_start3A_30] : memref<1024x8xf32, #tpu.memory_space<vmem>> -> memref<128x8xf32, #tpu.memory_space<vmem>>
      %dma_start3A_32 = arith.constant 0 : i32
      %dma_start3A_33 = tpu.memref_slice %arg8[%dma_start3A_32] : memref<1024xi32, #tpu.memory_space<vmem>> -> memref<128xi32, #tpu.memory_space<vmem>>
      %dma_start3A_34 = arith.constant 0 : i32
      %dma_start3A_35 = arith.constant 0 : i32
      %dma_start3A_36 = tpu.memref_slice %arg3[%dma_start3A_34, %dma_start3A_35] : memref<4194304x8xf32, #tpu.memory_space<hbm>> -> memref<4194304x8xf32, #tpu.memory_space<hbm>>
      tpu.enqueue_indirect_dma source(%dma_start3A_36 : memref<4194304x8xf32, #tpu.memory_space<hbm>>) target(%dma_start3A_31 : memref<128x8xf32, #tpu.memory_space<vmem>>) offsets(%dma_start3A_33 : memref<128xi32, #tpu.memory_space<vmem>>) semaphore(%arg10 : memref<!tpu.dma_semaphore, #tpu.memory_space<semaphore_mem>>)
      %dma_start3A_37 = arith.constant 128 : i32
      %dma_start3A_38 = arith.constant 0 : i32
      %dma_start3A_39 = tpu.memref_slice %arg11[%dma_start3A_37, %dma_start3A_38] : memref<1024x8xf32, #tpu.memory_space<vmem>> -> memref<128x8xf32, #tpu.memory_space<vmem>>
      %dma_start3A_40 = arith.constant 128 : i32
      %dma_start3A_41 = tpu.memref_slice %arg7[%dma_start3A_40] : memref<1024xi32, #tpu.memory_space<vmem>> -> memref<128xi32, #tpu.memory_space<vmem>>
      %dma_start3A_42 = arith.constant 0 : i32
      %dma_start3A_43 = arith.constant 0 : i32
      %dma_start3A_44 = tpu.memref_slice %arg3[%dma_start3A_42, %dma_start3A_43] : memref<4194304x8xf32, #tpu.memory_space<hbm>> -> memref<4194304x8xf32, #tpu.memory_space<hbm>>
      tpu.enqueue_indirect_dma source(%dma_start3A_44 : memref<4194304x8xf32, #tpu.memory_space<hbm>>) target(%dma_start3A_39 : memref<128x8xf32, #tpu.memory_space<vmem>>) offsets(%dma_start3A_41 : memref<128xi32, #tpu.memory_space<vmem>>) semaphore(%arg10 : memref<!tpu.dma_semaphore, #tpu.memory_space<semaphore_mem>>)
      %dma_start3A_45 = arith.constant 128 : i32
      %dma_start3A_46 = arith.constant 0 : i32
      %dma_start3A_47 = tpu.memref_slice %arg12[%dma_start3A_45, %dma_start3A_46] : memref<1024x8xf32, #tpu.memory_space<vmem>> -> memref<128x8xf32, #tpu.memory_space<vmem>>
      %dma_start3A_48 = arith.constant 128 : i32
      %dma_start3A_49 = tpu.memref_slice %arg8[%dma_start3A_48] : memref<1024xi32, #tpu.memory_space<vmem>> -> memref<128xi32, #tpu.memory_space<vmem>>
      %dma_start3A_50 = arith.constant 0 : i32
      %dma_start3A_51 = arith.constant 0 : i32
      %dma_start3A_52 = tpu.memref_slice %arg3[%dma_start3A_50, %dma_start3A_51] : memref<4194304x8xf32, #tpu.memory_space<hbm>> -> memref<4194304x8xf32, #tpu.memory_space<hbm>>
      tpu.enqueue_indirect_dma source(%dma_start3A_52 : memref<4194304x8xf32, #tpu.memory_space<hbm>>) target(%dma_start3A_47 : memref<128x8xf32, #tpu.memory_space<vmem>>) offsets(%dma_start3A_49 : memref<128xi32, #tpu.memory_space<vmem>>) semaphore(%arg10 : memref<!tpu.dma_semaphore, #tpu.memory_space<semaphore_mem>>)
      %dma_start3A_53 = arith.constant 256 : i32
      %dma_start3A_54 = arith.constant 0 : i32
      %dma_start3A_55 = tpu.memref_slice %arg11[%dma_start3A_53, %dma_start3A_54] : memref<1024x8xf32, #tpu.memory_space<vmem>> -> memref<128x8xf32, #tpu.memory_space<vmem>>
      %dma_start3A_56 = arith.constant 256 : i32
      %dma_start3A_57 = tpu.memref_slice %arg7[%dma_start3A_56] : memref<1024xi32, #tpu.memory_space<vmem>> -> memref<128xi32, #tpu.memory_space<vmem>>
      %dma_start3A_58 = arith.constant 0 : i32
      %dma_start3A_59 = arith.constant 0 : i32
      %dma_start3A_60 = tpu.memref_slice %arg3[%dma_start3A_58, %dma_start3A_59] : memref<4194304x8xf32, #tpu.memory_space<hbm>> -> memref<4194304x8xf32, #tpu.memory_space<hbm>>
      tpu.enqueue_indirect_dma source(%dma_start3A_60 : memref<4194304x8xf32, #tpu.memory_space<hbm>>) target(%dma_start3A_55 : memref<128x8xf32, #tpu.memory_space<vmem>>) offsets(%dma_start3A_57 : memref<128xi32, #tpu.memory_space<vmem>>) semaphore(%arg10 : memref<!tpu.dma_semaphore, #tpu.memory_space<semaphore_mem>>)
      %dma_start3A_61 = arith.constant 256 : i32
      %dma_start3A_62 = arith.constant 0 : i32
      %dma_start3A_63 = tpu.memref_slice %arg12[%dma_start3A_61, %dma_start3A_62] : memref<1024x8xf32, #tpu.memory_space<vmem>> -> memref<128x8xf32, #tpu.memory_space<vmem>>
      %dma_start3A_64 = arith.constant 256 : i32
      %dma_start3A_65 = tpu.memref_slice %arg8[%dma_start3A_64] : memref<1024xi32, #tpu.memory_space<vmem>> -> memref<128xi32, #tpu.memory_space<vmem>>
      %dma_start3A_66 = arith.constant 0 : i32
      %dma_start3A_67 = arith.constant 0 : i32
      %dma_start3A_68 = tpu.memref_slice %arg3[%dma_start3A_66, %dma_start3A_67] : memref<4194304x8xf32, #tpu.memory_space<hbm>> -> memref<4194304x8xf32, #tpu.memory_space<hbm>>
      tpu.enqueue_indirect_dma source(%dma_start3A_68 : memref<4194304x8xf32, #tpu.memory_space<hbm>>) target(%dma_start3A_63 : memref<128x8xf32, #tpu.memory_space<vmem>>) offsets(%dma_start3A_65 : memref<128xi32, #tpu.memory_space<vmem>>) semaphore(%arg10 : memref<!tpu.dma_semaphore, #tpu.memory_space<semaphore_mem>>)
      %dma_start3A_69 = arith.constant 384 : i32
      %dma_start3A_70 = arith.constant 0 : i32
      %dma_start3A_71 = tpu.memref_slice %arg11[%dma_start3A_69, %dma_start3A_70] : memref<1024x8xf32, #tpu.memory_space<vmem>> -> memref<128x8xf32, #tpu.memory_space<vmem>>
      %dma_start3A_72 = arith.constant 384 : i32
      %dma_start3A_73 = tpu.memref_slice %arg7[%dma_start3A_72] : memref<1024xi32, #tpu.memory_space<vmem>> -> memref<128xi32, #tpu.memory_space<vmem>>
      %dma_start3A_74 = arith.constant 0 : i32
      %dma_start3A_75 = arith.constant 0 : i32
      %dma_start3A_76 = tpu.memref_slice %arg3[%dma_start3A_74, %dma_start3A_75] : memref<4194304x8xf32, #tpu.memory_space<hbm>> -> memref<4194304x8xf32, #tpu.memory_space<hbm>>
      tpu.enqueue_indirect_dma source(%dma_start3A_76 : memref<4194304x8xf32, #tpu.memory_space<hbm>>) target(%dma_start3A_71 : memref<128x8xf32, #tpu.memory_space<vmem>>) offsets(%dma_start3A_73 : memref<128xi32, #tpu.memory_space<vmem>>) semaphore(%arg10 : memref<!tpu.dma_semaphore, #tpu.memory_space<semaphore_mem>>)
      %dma_start3A_77 = arith.constant 384 : i32
      %dma_start3A_78 = arith.constant 0 : i32
      %dma_start3A_79 = tpu.memref_slice %arg12[%dma_start3A_77, %dma_start3A_78] : memref<1024x8xf32, #tpu.memory_space<vmem>> -> memref<128x8xf32, #tpu.memory_space<vmem>>
      %dma_start3A_80 = arith.constant 384 : i32
      %dma_start3A_81 = tpu.memref_slice %arg8[%dma_start3A_80] : memref<1024xi32, #tpu.memory_space<vmem>> -> memref<128xi32, #tpu.memory_space<vmem>>
      %dma_start3A_82 = arith.constant 0 : i32
      %dma_start3A_83 = arith.constant 0 : i32
      %dma_start3A_84 = tpu.memref_slice %arg3[%dma_start3A_82, %dma_start3A_83] : memref<4194304x8xf32, #tpu.memory_space<hbm>> -> memref<4194304x8xf32, #tpu.memory_space<hbm>>
      tpu.enqueue_indirect_dma source(%dma_start3A_84 : memref<4194304x8xf32, #tpu.memory_space<hbm>>) target(%dma_start3A_79 : memref<128x8xf32, #tpu.memory_space<vmem>>) offsets(%dma_start3A_81 : memref<128xi32, #tpu.memory_space<vmem>>) semaphore(%arg10 : memref<!tpu.dma_semaphore, #tpu.memory_space<semaphore_mem>>)
      %dma_start3A_85 = arith.constant 512 : i32
      %dma_start3A_86 = arith.constant 0 : i32
      %dma_start3A_87 = tpu.memref_slice %arg11[%dma_start3A_85, %dma_start3A_86] : memref<1024x8xf32, #tpu.memory_space<vmem>> -> memref<128x8xf32, #tpu.memory_space<vmem>>
      %dma_start3A_88 = arith.constant 512 : i32
      %dma_start3A_89 = tpu.memref_slice %arg7[%dma_start3A_88] : memref<1024xi32, #tpu.memory_space<vmem>> -> memref<128xi32, #tpu.memory_space<vmem>>
      %dma_start3A_90 = arith.constant 0 : i32
      %dma_start3A_91 = arith.constant 0 : i32
      %dma_start3A_92 = tpu.memref_slice %arg3[%dma_start3A_90, %dma_start3A_91] : memref<4194304x8xf32, #tpu.memory_space<hbm>> -> memref<4194304x8xf32, #tpu.memory_space<hbm>>
      tpu.enqueue_indirect_dma source(%dma_start3A_92 : memref<4194304x8xf32, #tpu.memory_space<hbm>>) target(%dma_start3A_87 : memref<128x8xf32, #tpu.memory_space<vmem>>) offsets(%dma_start3A_89 : memref<128xi32, #tpu.memory_space<vmem>>) semaphore(%arg10 : memref<!tpu.dma_semaphore, #tpu.memory_space<semaphore_mem>>)
      %dma_start3A_93 = arith.constant 512 : i32
      %dma_start3A_94 = arith.constant 0 : i32
      %dma_start3A_95 = tpu.memref_slice %arg12[%dma_start3A_93, %dma_start3A_94] : memref<1024x8xf32, #tpu.memory_space<vmem>> -> memref<128x8xf32, #tpu.memory_space<vmem>>
      %dma_start3A_96 = arith.constant 512 : i32
      %dma_start3A_97 = tpu.memref_slice %arg8[%dma_start3A_96] : memref<1024xi32, #tpu.memory_space<vmem>> -> memref<128xi32, #tpu.memory_space<vmem>>
      %dma_start3A_98 = arith.constant 0 : i32
      %dma_start3A_99 = arith.constant 0 : i32
      %dma_start3A_100 = tpu.memref_slice %arg3[%dma_start3A_98, %dma_start3A_99] : memref<4194304x8xf32, #tpu.memory_space<hbm>> -> memref<4194304x8xf32, #tpu.memory_space<hbm>>
      tpu.enqueue_indirect_dma source(%dma_start3A_100 : memref<4194304x8xf32, #tpu.memory_space<hbm>>) target(%dma_start3A_95 : memref<128x8xf32, #tpu.memory_space<vmem>>) offsets(%dma_start3A_97 : memref<128xi32, #tpu.memory_space<vmem>>) semaphore(%arg10 : memref<!tpu.dma_semaphore, #tpu.memory_space<semaphore_mem>>)
      %dma_start3A_101 = arith.constant 640 : i32
      %dma_start3A_102 = arith.constant 0 : i32
      %dma_start3A_103 = tpu.memref_slice %arg11[%dma_start3A_101, %dma_start3A_102] : memref<1024x8xf32, #tpu.memory_space<vmem>> -> memref<128x8xf32, #tpu.memory_space<vmem>>
      %dma_start3A_104 = arith.constant 640 : i32
      %dma_start3A_105 = tpu.memref_slice %arg7[%dma_start3A_104] : memref<1024xi32, #tpu.memory_space<vmem>> -> memref<128xi32, #tpu.memory_space<vmem>>
      %dma_start3A_106 = arith.constant 0 : i32
      %dma_start3A_107 = arith.constant 0 : i32
      %dma_start3A_108 = tpu.memref_slice %arg3[%dma_start3A_106, %dma_start3A_107] : memref<4194304x8xf32, #tpu.memory_space<hbm>> -> memref<4194304x8xf32, #tpu.memory_space<hbm>>
      tpu.enqueue_indirect_dma source(%dma_start3A_108 : memref<4194304x8xf32, #tpu.memory_space<hbm>>) target(%dma_start3A_103 : memref<128x8xf32, #tpu.memory_space<vmem>>) offsets(%dma_start3A_105 : memref<128xi32, #tpu.memory_space<vmem>>) semaphore(%arg10 : memref<!tpu.dma_semaphore, #tpu.memory_space<semaphore_mem>>)
      %dma_start3A_109 = arith.constant 640 : i32
      %dma_start3A_110 = arith.constant 0 : i32
      %dma_start3A_111 = tpu.memref_slice %arg12[%dma_start3A_109, %dma_start3A_110] : memref<1024x8xf32, #tpu.memory_space<vmem>> -> memref<128x8xf32, #tpu.memory_space<vmem>>
      %dma_start3A_112 = arith.constant 640 : i32
      %dma_start3A_113 = tpu.memref_slice %arg8[%dma_start3A_112] : memref<1024xi32, #tpu.memory_space<vmem>> -> memref<128xi32, #tpu.memory_space<vmem>>
      %dma_start3A_114 = arith.constant 0 : i32
      %dma_start3A_115 = arith.constant 0 : i32
      %dma_start3A_116 = tpu.memref_slice %arg3[%dma_start3A_114, %dma_start3A_115] : memref<4194304x8xf32, #tpu.memory_space<hbm>> -> memref<4194304x8xf32, #tpu.memory_space<hbm>>
      tpu.enqueue_indirect_dma source(%dma_start3A_116 : memref<4194304x8xf32, #tpu.memory_space<hbm>>) target(%dma_start3A_111 : memref<128x8xf32, #tpu.memory_space<vmem>>) offsets(%dma_start3A_113 : memref<128xi32, #tpu.memory_space<vmem>>) semaphore(%arg10 : memref<!tpu.dma_semaphore, #tpu.memory_space<semaphore_mem>>)
      %dma_start3A_117 = arith.constant 768 : i32
      %dma_start3A_118 = arith.constant 0 : i32
      %dma_start3A_119 = tpu.memref_slice %arg11[%dma_start3A_117, %dma_start3A_118] : memref<1024x8xf32, #tpu.memory_space<vmem>> -> memref<128x8xf32, #tpu.memory_space<vmem>>
      %dma_start3A_120 = arith.constant 768 : i32
      %dma_start3A_121 = tpu.memref_slice %arg7[%dma_start3A_120] : memref<1024xi32, #tpu.memory_space<vmem>> -> memref<128xi32, #tpu.memory_space<vmem>>
      %dma_start3A_122 = arith.constant 0 : i32
      %dma_start3A_123 = arith.constant 0 : i32
      %dma_start3A_124 = tpu.memref_slice %arg3[%dma_start3A_122, %dma_start3A_123] : memref<4194304x8xf32, #tpu.memory_space<hbm>> -> memref<4194304x8xf32, #tpu.memory_space<hbm>>
      tpu.enqueue_indirect_dma source(%dma_start3A_124 : memref<4194304x8xf32, #tpu.memory_space<hbm>>) target(%dma_start3A_119 : memref<128x8xf32, #tpu.memory_space<vmem>>) offsets(%dma_start3A_121 : memref<128xi32, #tpu.memory_space<vmem>>) semaphore(%arg10 : memref<!tpu.dma_semaphore, #tpu.memory_space<semaphore_mem>>)
      %dma_start3A_125 = arith.constant 768 : i32
      %dma_start3A_126 = arith.constant 0 : i32
      %dma_start3A_127 = tpu.memref_slice %arg12[%dma_start3A_125, %dma_start3A_126] : memref<1024x8xf32, #tpu.memory_space<vmem>> -> memref<128x8xf32, #tpu.memory_space<vmem>>
      %dma_start3A_128 = arith.constant 768 : i32
      %dma_start3A_129 = tpu.memref_slice %arg8[%dma_start3A_128] : memref<1024xi32, #tpu.memory_space<vmem>> -> memref<128xi32, #tpu.memory_space<vmem>>
      %dma_start3A_130 = arith.constant 0 : i32
      %dma_start3A_131 = arith.constant 0 : i32
      %dma_start3A_132 = tpu.memref_slice %arg3[%dma_start3A_130, %dma_start3A_131] : memref<4194304x8xf32, #tpu.memory_space<hbm>> -> memref<4194304x8xf32, #tpu.memory_space<hbm>>
      tpu.enqueue_indirect_dma source(%dma_start3A_132 : memref<4194304x8xf32, #tpu.memory_space<hbm>>) target(%dma_start3A_127 : memref<128x8xf32, #tpu.memory_space<vmem>>) offsets(%dma_start3A_129 : memref<128xi32, #tpu.memory_space<vmem>>) semaphore(%arg10 : memref<!tpu.dma_semaphore, #tpu.memory_space<semaphore_mem>>)
      %dma_start3A_133 = arith.constant 896 : i32
      %dma_start3A_134 = arith.constant 0 : i32
      %dma_start3A_135 = tpu.memref_slice %arg11[%dma_start3A_133, %dma_start3A_134] : memref<1024x8xf32, #tpu.memory_space<vmem>> -> memref<128x8xf32, #tpu.memory_space<vmem>>
      %dma_start3A_136 = arith.constant 896 : i32
      %dma_start3A_137 = tpu.memref_slice %arg7[%dma_start3A_136] : memref<1024xi32, #tpu.memory_space<vmem>> -> memref<128xi32, #tpu.memory_space<vmem>>
      %dma_start3A_138 = arith.constant 0 : i32
      %dma_start3A_139 = arith.constant 0 : i32
      %dma_start3A_140 = tpu.memref_slice %arg3[%dma_start3A_138, %dma_start3A_139] : memref<4194304x8xf32, #tpu.memory_space<hbm>> -> memref<4194304x8xf32, #tpu.memory_space<hbm>>
      tpu.enqueue_indirect_dma source(%dma_start3A_140 : memref<4194304x8xf32, #tpu.memory_space<hbm>>) target(%dma_start3A_135 : memref<128x8xf32, #tpu.memory_space<vmem>>) offsets(%dma_start3A_137 : memref<128xi32, #tpu.memory_space<vmem>>) semaphore(%arg10 : memref<!tpu.dma_semaphore, #tpu.memory_space<semaphore_mem>>)
      %dma_start3A_141 = arith.constant 896 : i32
      %dma_start3A_142 = arith.constant 0 : i32
      %dma_start3A_143 = tpu.memref_slice %arg12[%dma_start3A_141, %dma_start3A_142] : memref<1024x8xf32, #tpu.memory_space<vmem>> -> memref<128x8xf32, #tpu.memory_space<vmem>>
      %dma_start3A_144 = arith.constant 896 : i32
      %dma_start3A_145 = tpu.memref_slice %arg8[%dma_start3A_144] : memref<1024xi32, #tpu.memory_space<vmem>> -> memref<128xi32, #tpu.memory_space<vmem>>
      %dma_start3A_146 = arith.constant 0 : i32
      %dma_start3A_147 = arith.constant 0 : i32
      %dma_start3A_148 = tpu.memref_slice %arg3[%dma_start3A_146, %dma_start3A_147] : memref<4194304x8xf32, #tpu.memory_space<hbm>> -> memref<4194304x8xf32, #tpu.memory_space<hbm>>
      tpu.enqueue_indirect_dma source(%dma_start3A_148 : memref<4194304x8xf32, #tpu.memory_space<hbm>>) target(%dma_start3A_143 : memref<128x8xf32, #tpu.memory_space<vmem>>) offsets(%dma_start3A_145 : memref<128xi32, #tpu.memory_space<vmem>>) semaphore(%arg10 : memref<!tpu.dma_semaphore, #tpu.memory_space<semaphore_mem>>)
      %dma_wait3A = arith.constant 0 : i32
      %dma_wait3A_149 = arith.constant 0 : i32
      %dma_wait3A_150 = tpu.memref_slice %arg11[%dma_wait3A, %dma_wait3A_149] : memref<1024x8xf32, #tpu.memory_space<vmem>> -> memref<128x8xf32, #tpu.memory_space<vmem>>
      %dma_wait3A_151 = arith.constant 0 : i32
      %dma_wait3A_152 = tpu.memref_slice %arg7[%dma_wait3A_151] : memref<1024xi32, #tpu.memory_space<vmem>> -> memref<128xi32, #tpu.memory_space<vmem>>
      %dma_wait3A_153 = arith.constant 0 : i32
      %dma_wait3A_154 = arith.constant 0 : i32
      %dma_wait3A_155 = tpu.memref_slice %arg3[%dma_wait3A_153, %dma_wait3A_154] : memref<4194304x8xf32, #tpu.memory_space<hbm>> -> memref<4194304x8xf32, #tpu.memory_space<hbm>>
      tpu.wait_indirect_dma semaphore(%arg10 : memref<!tpu.dma_semaphore, #tpu.memory_space<semaphore_mem>>) src(%dma_wait3A_155 : memref<4194304x8xf32, #tpu.memory_space<hbm>>) dst(%dma_wait3A_150 : memref<128x8xf32, #tpu.memory_space<vmem>>)
      %dma_wait3A_156 = arith.constant 0 : i32
      %dma_wait3A_157 = arith.constant 0 : i32
      %dma_wait3A_158 = tpu.memref_slice %arg12[%dma_wait3A_156, %dma_wait3A_157] : memref<1024x8xf32, #tpu.memory_space<vmem>> -> memref<128x8xf32, #tpu.memory_space<vmem>>
      %dma_wait3A_159 = arith.constant 0 : i32
      %dma_wait3A_160 = tpu.memref_slice %arg8[%dma_wait3A_159] : memref<1024xi32, #tpu.memory_space<vmem>> -> memref<128xi32, #tpu.memory_space<vmem>>
      %dma_wait3A_161 = arith.constant 0 : i32
      %dma_wait3A_162 = arith.constant 0 : i32
      %dma_wait3A_163 = tpu.memref_slice %arg3[%dma_wait3A_161, %dma_wait3A_162] : memref<4194304x8xf32, #tpu.memory_space<hbm>> -> memref<4194304x8xf32, #tpu.memory_space<hbm>>
      tpu.wait_indirect_dma semaphore(%arg10 : memref<!tpu.dma_semaphore, #tpu.memory_space<semaphore_mem>>) src(%dma_wait3A_163 : memref<4194304x8xf32, #tpu.memory_space<hbm>>) dst(%dma_wait3A_158 : memref<128x8xf32, #tpu.memory_space<vmem>>)
      %dma_wait3A_164 = arith.constant 128 : i32
      %dma_wait3A_165 = arith.constant 0 : i32
      %dma_wait3A_166 = tpu.memref_slice %arg11[%dma_wait3A_164, %dma_wait3A_165] : memref<1024x8xf32, #tpu.memory_space<vmem>> -> memref<128x8xf32, #tpu.memory_space<vmem>>
      %dma_wait3A_167 = arith.constant 128 : i32
      %dma_wait3A_168 = tpu.memref_slice %arg7[%dma_wait3A_167] : memref<1024xi32, #tpu.memory_space<vmem>> -> memref<128xi32, #tpu.memory_space<vmem>>
      %dma_wait3A_169 = arith.constant 0 : i32
      %dma_wait3A_170 = arith.constant 0 : i32
      %dma_wait3A_171 = tpu.memref_slice %arg3[%dma_wait3A_169, %dma_wait3A_170] : memref<4194304x8xf32, #tpu.memory_space<hbm>> -> memref<4194304x8xf32, #tpu.memory_space<hbm>>
      tpu.wait_indirect_dma semaphore(%arg10 : memref<!tpu.dma_semaphore, #tpu.memory_space<semaphore_mem>>) src(%dma_wait3A_171 : memref<4194304x8xf32, #tpu.memory_space<hbm>>) dst(%dma_wait3A_166 : memref<128x8xf32, #tpu.memory_space<vmem>>)
      %dma_wait3A_172 = arith.constant 128 : i32
      %dma_wait3A_173 = arith.constant 0 : i32
      %dma_wait3A_174 = tpu.memref_slice %arg12[%dma_wait3A_172, %dma_wait3A_173] : memref<1024x8xf32, #tpu.memory_space<vmem>> -> memref<128x8xf32, #tpu.memory_space<vmem>>
      %dma_wait3A_175 = arith.constant 128 : i32
      %dma_wait3A_176 = tpu.memref_slice %arg8[%dma_wait3A_175] : memref<1024xi32, #tpu.memory_space<vmem>> -> memref<128xi32, #tpu.memory_space<vmem>>
      %dma_wait3A_177 = arith.constant 0 : i32
      %dma_wait3A_178 = arith.constant 0 : i32
      %dma_wait3A_179 = tpu.memref_slice %arg3[%dma_wait3A_177, %dma_wait3A_178] : memref<4194304x8xf32, #tpu.memory_space<hbm>> -> memref<4194304x8xf32, #tpu.memory_space<hbm>>
      tpu.wait_indirect_dma semaphore(%arg10 : memref<!tpu.dma_semaphore, #tpu.memory_space<semaphore_mem>>) src(%dma_wait3A_179 : memref<4194304x8xf32, #tpu.memory_space<hbm>>) dst(%dma_wait3A_174 : memref<128x8xf32, #tpu.memory_space<vmem>>)
      %dma_wait3A_180 = arith.constant 256 : i32
      %dma_wait3A_181 = arith.constant 0 : i32
      %dma_wait3A_182 = tpu.memref_slice %arg11[%dma_wait3A_180, %dma_wait3A_181] : memref<1024x8xf32, #tpu.memory_space<vmem>> -> memref<128x8xf32, #tpu.memory_space<vmem>>
      %dma_wait3A_183 = arith.constant 256 : i32
      %dma_wait3A_184 = tpu.memref_slice %arg7[%dma_wait3A_183] : memref<1024xi32, #tpu.memory_space<vmem>> -> memref<128xi32, #tpu.memory_space<vmem>>
      %dma_wait3A_185 = arith.constant 0 : i32
      %dma_wait3A_186 = arith.constant 0 : i32
      %dma_wait3A_187 = tpu.memref_slice %arg3[%dma_wait3A_185, %dma_wait3A_186] : memref<4194304x8xf32, #tpu.memory_space<hbm>> -> memref<4194304x8xf32, #tpu.memory_space<hbm>>
      tpu.wait_indirect_dma semaphore(%arg10 : memref<!tpu.dma_semaphore, #tpu.memory_space<semaphore_mem>>) src(%dma_wait3A_187 : memref<4194304x8xf32, #tpu.memory_space<hbm>>) dst(%dma_wait3A_182 : memref<128x8xf32, #tpu.memory_space<vmem>>)
      %dma_wait3A_188 = arith.constant 256 : i32
      %dma_wait3A_189 = arith.constant 0 : i32
      %dma_wait3A_190 = tpu.memref_slice %arg12[%dma_wait3A_188, %dma_wait3A_189] : memref<1024x8xf32, #tpu.memory_space<vmem>> -> memref<128x8xf32, #tpu.memory_space<vmem>>
      %dma_wait3A_191 = arith.constant 256 : i32
      %dma_wait3A_192 = tpu.memref_slice %arg8[%dma_wait3A_191] : memref<1024xi32, #tpu.memory_space<vmem>> -> memref<128xi32, #tpu.memory_space<vmem>>
      %dma_wait3A_193 = arith.constant 0 : i32
      %dma_wait3A_194 = arith.constant 0 : i32
      %dma_wait3A_195 = tpu.memref_slice %arg3[%dma_wait3A_193, %dma_wait3A_194] : memref<4194304x8xf32, #tpu.memory_space<hbm>> -> memref<4194304x8xf32, #tpu.memory_space<hbm>>
      tpu.wait_indirect_dma semaphore(%arg10 : memref<!tpu.dma_semaphore, #tpu.memory_space<semaphore_mem>>) src(%dma_wait3A_195 : memref<4194304x8xf32, #tpu.memory_space<hbm>>) dst(%dma_wait3A_190 : memref<128x8xf32, #tpu.memory_space<vmem>>)
      %dma_wait3A_196 = arith.constant 384 : i32
      %dma_wait3A_197 = arith.constant 0 : i32
      %dma_wait3A_198 = tpu.memref_slice %arg11[%dma_wait3A_196, %dma_wait3A_197] : memref<1024x8xf32, #tpu.memory_space<vmem>> -> memref<128x8xf32, #tpu.memory_space<vmem>>
      %dma_wait3A_199 = arith.constant 384 : i32
      %dma_wait3A_200 = tpu.memref_slice %arg7[%dma_wait3A_199] : memref<1024xi32, #tpu.memory_space<vmem>> -> memref<128xi32, #tpu.memory_space<vmem>>
      %dma_wait3A_201 = arith.constant 0 : i32
      %dma_wait3A_202 = arith.constant 0 : i32
      %dma_wait3A_203 = tpu.memref_slice %arg3[%dma_wait3A_201, %dma_wait3A_202] : memref<4194304x8xf32, #tpu.memory_space<hbm>> -> memref<4194304x8xf32, #tpu.memory_space<hbm>>
      tpu.wait_indirect_dma semaphore(%arg10 : memref<!tpu.dma_semaphore, #tpu.memory_space<semaphore_mem>>) src(%dma_wait3A_203 : memref<4194304x8xf32, #tpu.memory_space<hbm>>) dst(%dma_wait3A_198 : memref<128x8xf32, #tpu.memory_space<vmem>>)
      %dma_wait3A_204 = arith.constant 384 : i32
      %dma_wait3A_205 = arith.constant 0 : i32
      %dma_wait3A_206 = tpu.memref_slice %arg12[%dma_wait3A_204, %dma_wait3A_205] : memref<1024x8xf32, #tpu.memory_space<vmem>> -> memref<128x8xf32, #tpu.memory_space<vmem>>
      %dma_wait3A_207 = arith.constant 384 : i32
      %dma_wait3A_208 = tpu.memref_slice %arg8[%dma_wait3A_207] : memref<1024xi32, #tpu.memory_space<vmem>> -> memref<128xi32, #tpu.memory_space<vmem>>
      %dma_wait3A_209 = arith.constant 0 : i32
      %dma_wait3A_210 = arith.constant 0 : i32
      %dma_wait3A_211 = tpu.memref_slice %arg3[%dma_wait3A_209, %dma_wait3A_210] : memref<4194304x8xf32, #tpu.memory_space<hbm>> -> memref<4194304x8xf32, #tpu.memory_space<hbm>>
      tpu.wait_indirect_dma semaphore(%arg10 : memref<!tpu.dma_semaphore, #tpu.memory_space<semaphore_mem>>) src(%dma_wait3A_211 : memref<4194304x8xf32, #tpu.memory_space<hbm>>) dst(%dma_wait3A_206 : memref<128x8xf32, #tpu.memory_space<vmem>>)
      %dma_wait3A_212 = arith.constant 512 : i32
      %dma_wait3A_213 = arith.constant 0 : i32
      %dma_wait3A_214 = tpu.memref_slice %arg11[%dma_wait3A_212, %dma_wait3A_213] : memref<1024x8xf32, #tpu.memory_space<vmem>> -> memref<128x8xf32, #tpu.memory_space<vmem>>
      %dma_wait3A_215 = arith.constant 512 : i32
      %dma_wait3A_216 = tpu.memref_slice %arg7[%dma_wait3A_215] : memref<1024xi32, #tpu.memory_space<vmem>> -> memref<128xi32, #tpu.memory_space<vmem>>
      %dma_wait3A_217 = arith.constant 0 : i32
      %dma_wait3A_218 = arith.constant 0 : i32
      %dma_wait3A_219 = tpu.memref_slice %arg3[%dma_wait3A_217, %dma_wait3A_218] : memref<4194304x8xf32, #tpu.memory_space<hbm>> -> memref<4194304x8xf32, #tpu.memory_space<hbm>>
      tpu.wait_indirect_dma semaphore(%arg10 : memref<!tpu.dma_semaphore, #tpu.memory_space<semaphore_mem>>) src(%dma_wait3A_219 : memref<4194304x8xf32, #tpu.memory_space<hbm>>) dst(%dma_wait3A_214 : memref<128x8xf32, #tpu.memory_space<vmem>>)
      %dma_wait3A_220 = arith.constant 512 : i32
      %dma_wait3A_221 = arith.constant 0 : i32
      %dma_wait3A_222 = tpu.memref_slice %arg12[%dma_wait3A_220, %dma_wait3A_221] : memref<1024x8xf32, #tpu.memory_space<vmem>> -> memref<128x8xf32, #tpu.memory_space<vmem>>
      %dma_wait3A_223 = arith.constant 512 : i32
      %dma_wait3A_224 = tpu.memref_slice %arg8[%dma_wait3A_223] : memref<1024xi32, #tpu.memory_space<vmem>> -> memref<128xi32, #tpu.memory_space<vmem>>
      %dma_wait3A_225 = arith.constant 0 : i32
      %dma_wait3A_226 = arith.constant 0 : i32
      %dma_wait3A_227 = tpu.memref_slice %arg3[%dma_wait3A_225, %dma_wait3A_226] : memref<4194304x8xf32, #tpu.memory_space<hbm>> -> memref<4194304x8xf32, #tpu.memory_space<hbm>>
      tpu.wait_indirect_dma semaphore(%arg10 : memref<!tpu.dma_semaphore, #tpu.memory_space<semaphore_mem>>) src(%dma_wait3A_227 : memref<4194304x8xf32, #tpu.memory_space<hbm>>) dst(%dma_wait3A_222 : memref<128x8xf32, #tpu.memory_space<vmem>>)
      %dma_wait3A_228 = arith.constant 640 : i32
      %dma_wait3A_229 = arith.constant 0 : i32
      %dma_wait3A_230 = tpu.memref_slice %arg11[%dma_wait3A_228, %dma_wait3A_229] : memref<1024x8xf32, #tpu.memory_space<vmem>> -> memref<128x8xf32, #tpu.memory_space<vmem>>
      %dma_wait3A_231 = arith.constant 640 : i32
      %dma_wait3A_232 = tpu.memref_slice %arg7[%dma_wait3A_231] : memref<1024xi32, #tpu.memory_space<vmem>> -> memref<128xi32, #tpu.memory_space<vmem>>
      %dma_wait3A_233 = arith.constant 0 : i32
      %dma_wait3A_234 = arith.constant 0 : i32
      %dma_wait3A_235 = tpu.memref_slice %arg3[%dma_wait3A_233, %dma_wait3A_234] : memref<4194304x8xf32, #tpu.memory_space<hbm>> -> memref<4194304x8xf32, #tpu.memory_space<hbm>>
      tpu.wait_indirect_dma semaphore(%arg10 : memref<!tpu.dma_semaphore, #tpu.memory_space<semaphore_mem>>) src(%dma_wait3A_235 : memref<4194304x8xf32, #tpu.memory_space<hbm>>) dst(%dma_wait3A_230 : memref<128x8xf32, #tpu.memory_space<vmem>>)
      %dma_wait3A_236 = arith.constant 640 : i32
      %dma_wait3A_237 = arith.constant 0 : i32
      %dma_wait3A_238 = tpu.memref_slice %arg12[%dma_wait3A_236, %dma_wait3A_237] : memref<1024x8xf32, #tpu.memory_space<vmem>> -> memref<128x8xf32, #tpu.memory_space<vmem>>
      %dma_wait3A_239 = arith.constant 640 : i32
      %dma_wait3A_240 = tpu.memref_slice %arg8[%dma_wait3A_239] : memref<1024xi32, #tpu.memory_space<vmem>> -> memref<128xi32, #tpu.memory_space<vmem>>
      %dma_wait3A_241 = arith.constant 0 : i32
      %dma_wait3A_242 = arith.constant 0 : i32
      %dma_wait3A_243 = tpu.memref_slice %arg3[%dma_wait3A_241, %dma_wait3A_242] : memref<4194304x8xf32, #tpu.memory_space<hbm>> -> memref<4194304x8xf32, #tpu.memory_space<hbm>>
      tpu.wait_indirect_dma semaphore(%arg10 : memref<!tpu.dma_semaphore, #tpu.memory_space<semaphore_mem>>) src(%dma_wait3A_243 : memref<4194304x8xf32, #tpu.memory_space<hbm>>) dst(%dma_wait3A_238 : memref<128x8xf32, #tpu.memory_space<vmem>>)
      %dma_wait3A_244 = arith.constant 768 : i32
      %dma_wait3A_245 = arith.constant 0 : i32
      %dma_wait3A_246 = tpu.memref_slice %arg11[%dma_wait3A_244, %dma_wait3A_245] : memref<1024x8xf32, #tpu.memory_space<vmem>> -> memref<128x8xf32, #tpu.memory_space<vmem>>
      %dma_wait3A_247 = arith.constant 768 : i32
      %dma_wait3A_248 = tpu.memref_slice %arg7[%dma_wait3A_247] : memref<1024xi32, #tpu.memory_space<vmem>> -> memref<128xi32, #tpu.memory_space<vmem>>
      %dma_wait3A_249 = arith.constant 0 : i32
      %dma_wait3A_250 = arith.constant 0 : i32
      %dma_wait3A_251 = tpu.memref_slice %arg3[%dma_wait3A_249, %dma_wait3A_250] : memref<4194304x8xf32, #tpu.memory_space<hbm>> -> memref<4194304x8xf32, #tpu.memory_space<hbm>>
      tpu.wait_indirect_dma semaphore(%arg10 : memref<!tpu.dma_semaphore, #tpu.memory_space<semaphore_mem>>) src(%dma_wait3A_251 : memref<4194304x8xf32, #tpu.memory_space<hbm>>) dst(%dma_wait3A_246 : memref<128x8xf32, #tpu.memory_space<vmem>>)
      %dma_wait3A_252 = arith.constant 768 : i32
      %dma_wait3A_253 = arith.constant 0 : i32
      %dma_wait3A_254 = tpu.memref_slice %arg12[%dma_wait3A_252, %dma_wait3A_253] : memref<1024x8xf32, #tpu.memory_space<vmem>> -> memref<128x8xf32, #tpu.memory_space<vmem>>
      %dma_wait3A_255 = arith.constant 768 : i32
      %dma_wait3A_256 = tpu.memref_slice %arg8[%dma_wait3A_255] : memref<1024xi32, #tpu.memory_space<vmem>> -> memref<128xi32, #tpu.memory_space<vmem>>
      %dma_wait3A_257 = arith.constant 0 : i32
      %dma_wait3A_258 = arith.constant 0 : i32
      %dma_wait3A_259 = tpu.memref_slice %arg3[%dma_wait3A_257, %dma_wait3A_258] : memref<4194304x8xf32, #tpu.memory_space<hbm>> -> memref<4194304x8xf32, #tpu.memory_space<hbm>>
      tpu.wait_indirect_dma semaphore(%arg10 : memref<!tpu.dma_semaphore, #tpu.memory_space<semaphore_mem>>) src(%dma_wait3A_259 : memref<4194304x8xf32, #tpu.memory_space<hbm>>) dst(%dma_wait3A_254 : memref<128x8xf32, #tpu.memory_space<vmem>>)
      %dma_wait3A_260 = arith.constant 896 : i32
      %dma_wait3A_261 = arith.constant 0 : i32
      %dma_wait3A_262 = tpu.memref_slice %arg11[%dma_wait3A_260, %dma_wait3A_261] : memref<1024x8xf32, #tpu.memory_space<vmem>> -> memref<128x8xf32, #tpu.memory_space<vmem>>
      %dma_wait3A_263 = arith.constant 896 : i32
      %dma_wait3A_264 = tpu.memref_slice %arg7[%dma_wait3A_263] : memref<1024xi32, #tpu.memory_space<vmem>> -> memref<128xi32, #tpu.memory_space<vmem>>
      %dma_wait3A_265 = arith.constant 0 : i32
      %dma_wait3A_266 = arith.constant 0 : i32
      %dma_wait3A_267 = tpu.memref_slice %arg3[%dma_wait3A_265, %dma_wait3A_266] : memref<4194304x8xf32, #tpu.memory_space<hbm>> -> memref<4194304x8xf32, #tpu.memory_space<hbm>>
      tpu.wait_indirect_dma semaphore(%arg10 : memref<!tpu.dma_semaphore, #tpu.memory_space<semaphore_mem>>) src(%dma_wait3A_267 : memref<4194304x8xf32, #tpu.memory_space<hbm>>) dst(%dma_wait3A_262 : memref<128x8xf32, #tpu.memory_space<vmem>>)
      %dma_wait3A_268 = arith.constant 896 : i32
      %dma_wait3A_269 = arith.constant 0 : i32
      %dma_wait3A_270 = tpu.memref_slice %arg12[%dma_wait3A_268, %dma_wait3A_269] : memref<1024x8xf32, #tpu.memory_space<vmem>> -> memref<128x8xf32, #tpu.memory_space<vmem>>
      %dma_wait3A_271 = arith.constant 896 : i32
      %dma_wait3A_272 = tpu.memref_slice %arg8[%dma_wait3A_271] : memref<1024xi32, #tpu.memory_space<vmem>> -> memref<128xi32, #tpu.memory_space<vmem>>
      %dma_wait3A_273 = arith.constant 0 : i32
      %dma_wait3A_274 = arith.constant 0 : i32
      %dma_wait3A_275 = tpu.memref_slice %arg3[%dma_wait3A_273, %dma_wait3A_274] : memref<4194304x8xf32, #tpu.memory_space<hbm>> -> memref<4194304x8xf32, #tpu.memory_space<hbm>>
      tpu.wait_indirect_dma semaphore(%arg10 : memref<!tpu.dma_semaphore, #tpu.memory_space<semaphore_mem>>) src(%dma_wait3A_275 : memref<4194304x8xf32, #tpu.memory_space<hbm>>) dst(%dma_wait3A_270 : memref<128x8xf32, #tpu.memory_space<vmem>>)
      %scan3A_276 = arith.constant 0 : i32
      %scan3A_277 = arith.constant 0 : i32
      %scan3A_278 = arith.constant 64 : i32
      %scan3A_279 = arith.addi %scan3A_277, %scan3A_278 : i32
      %scan3A_280 = arith.constant 2 : i32
      scf.for %scan3A_284 = %scan3A_277 to %scan3A_279 step %scan3A_280  : i32 {
        %mul3A_285 = arith.constant 16 : i32
        %mul3A_286 = arith.muli %scan3A_284, %mul3A_285 : i32
        %add3A_287 = vector.broadcast %mul3A_286 : i32 to vector<16xi32>
        %add3A_288 = arith.addi %add3A_287, %iota3A : vector<16xi32>
        %mul3A_289 = arith.constant 3 : i32
        %mul3A_290 = vector.broadcast %mul3A_289 : i32 to vector<16xi32>
        %mul3A_291 = arith.muli %add3A_288, %mul3A_290 : vector<16xi32>
        %mul3A_292 = arith.constant 16 : i32
        %mul3A_293 = arith.muli %scan3A_284, %mul3A_292 : i32
        %get3A = arith.index_cast %mul3A_293 : i32 to index
        %get3A_294 = tpu.vector_load %arg5[%get3A] {strides = array<i32>} : memref<1024xf32, #tpu.memory_space<vmem>>, vector<16xf32>,
        %get3A_295 = arith.index_cast %mul3A_293 : i32 to index
        %get3A_296 = tpu.vector_load %arg6[%get3A_295] {strides = array<i32>} : memref<1024xf32, #tpu.memory_space<vmem>>, vector<16xf32>,
        %sub3A = arith.constant 1.000000e+00 : f32
        %sub3A_297 = vector.broadcast %sub3A : f32 to vector<16xf32>
        %sub3A_298 = arith.subf %sub3A_297, %get3A_294 : vector<16xf32>
        %sub3A_299 = arith.constant 1.000000e+00 : f32
        %sub3A_300 = vector.broadcast %sub3A_299 : f32 to vector<16xf32>
        %sub3A_301 = arith.subf %sub3A_300, %get3A_296 : vector<16xf32>
        %broadcast_in_dim3A = arith.constant 0 : i32
        %broadcast_in_dim3A_302 = vector.broadcast %broadcast_in_dim3A : i32 to vector<16xi32>
        %broadcast_in_dim3A_303 = arith.constant 3 : i32
        %broadcast_in_dim3A_304 = vector.broadcast %broadcast_in_dim3A_303 : i32 to vector<16xi32>
        %gather3A = tpu.vector_load_idx %arg11[%add3A_288, %broadcast_in_dim3A_302] : memref<1024x8xf32, #tpu.memory_space<vmem>>[vector<16xi32>, vector<16xi32>], vector<16xf32>,
        %mul3A_305 = arith.mulf %gather3A, %sub3A_298 : vector<16xf32>
        %gather3A_306 = tpu.vector_load_idx %arg11[%add3A_288, %broadcast_in_dim3A_304] : memref<1024x8xf32, #tpu.memory_space<vmem>>[vector<16xi32>, vector<16xi32>], vector<16xf32>,
        %mul3A_307 = arith.mulf %gather3A_306, %get3A_294 : vector<16xf32>
        %add3A_308 = arith.addf %mul3A_305, %mul3A_307 : vector<16xf32>
        %gather3A_309 = tpu.vector_load_idx %arg12[%add3A_288, %broadcast_in_dim3A_302] : memref<1024x8xf32, #tpu.memory_space<vmem>>[vector<16xi32>, vector<16xi32>], vector<16xf32>,
        %mul3A_310 = arith.mulf %gather3A_309, %sub3A_298 : vector<16xf32>
        %gather3A_311 = tpu.vector_load_idx %arg12[%add3A_288, %broadcast_in_dim3A_304] : memref<1024x8xf32, #tpu.memory_space<vmem>>[vector<16xi32>, vector<16xi32>], vector<16xf32>,
        %mul3A_312 = arith.mulf %gather3A_311, %get3A_294 : vector<16xf32>
        %add3A_313 = arith.addf %mul3A_310, %mul3A_312 : vector<16xf32>
        %add3A_314 = arith.addi %mul3A_291, %broadcast_in_dim3A_302 : vector<16xi32>
        %mul3A_315 = arith.mulf %add3A_308, %sub3A_301 : vector<16xf32>
        %mul3A_316 = arith.mulf %add3A_313, %get3A_296 : vector<16xf32>
        %add3A_317 = arith.addf %mul3A_315, %mul3A_316 : vector<16xf32>
        tpu.vector_store_idx %arg9[%add3A_314], %add3A_317 : memref<3072xf32, #tpu.memory_space<vmem>>[vector<16xi32>], vector<16xf32>,
        %broadcast_in_dim3A_318 = arith.constant 1 : i32
        %broadcast_in_dim3A_319 = vector.broadcast %broadcast_in_dim3A_318 : i32 to vector<16xi32>
        %broadcast_in_dim3A_320 = arith.constant 4 : i32
        %broadcast_in_dim3A_321 = vector.broadcast %broadcast_in_dim3A_320 : i32 to vector<16xi32>
        %gather3A_322 = tpu.vector_load_idx %arg11[%add3A_288, %broadcast_in_dim3A_319] : memref<1024x8xf32, #tpu.memory_space<vmem>>[vector<16xi32>, vector<16xi32>], vector<16xf32>,
        %mul3A_323 = arith.mulf %gather3A_322, %sub3A_298 : vector<16xf32>
        %gather3A_324 = tpu.vector_load_idx %arg11[%add3A_288, %broadcast_in_dim3A_321] : memref<1024x8xf32, #tpu.memory_space<vmem>>[vector<16xi32>, vector<16xi32>], vector<16xf32>,
        %mul3A_325 = arith.mulf %gather3A_324, %get3A_294 : vector<16xf32>
        %add3A_326 = arith.addf %mul3A_323, %mul3A_325 : vector<16xf32>
        %gather3A_327 = tpu.vector_load_idx %arg12[%add3A_288, %broadcast_in_dim3A_319] : memref<1024x8xf32, #tpu.memory_space<vmem>>[vector<16xi32>, vector<16xi32>], vector<16xf32>,
        %mul3A_328 = arith.mulf %gather3A_327, %sub3A_298 : vector<16xf32>
        %gather3A_329 = tpu.vector_load_idx %arg12[%add3A_288, %broadcast_in_dim3A_321] : memref<1024x8xf32, #tpu.memory_space<vmem>>[vector<16xi32>, vector<16xi32>], vector<16xf32>,
        %mul3A_330 = arith.mulf %gather3A_329, %get3A_294 : vector<16xf32>
        %add3A_331 = arith.addf %mul3A_328, %mul3A_330 : vector<16xf32>
        %add3A_332 = arith.addi %mul3A_291, %broadcast_in_dim3A_319 : vector<16xi32>
        %mul3A_333 = arith.mulf %add3A_326, %sub3A_301 : vector<16xf32>
        %mul3A_334 = arith.mulf %add3A_331, %get3A_296 : vector<16xf32>
        %add3A_335 = arith.addf %mul3A_333, %mul3A_334 : vector<16xf32>
        tpu.vector_store_idx %arg9[%add3A_332], %add3A_335 : memref<3072xf32, #tpu.memory_space<vmem>>[vector<16xi32>], vector<16xf32>,
        %broadcast_in_dim3A_336 = arith.constant 2 : i32
        %broadcast_in_dim3A_337 = vector.broadcast %broadcast_in_dim3A_336 : i32 to vector<16xi32>
        %broadcast_in_dim3A_338 = arith.constant 5 : i32
        %broadcast_in_dim3A_339 = vector.broadcast %broadcast_in_dim3A_338 : i32 to vector<16xi32>
        %gather3A_340 = tpu.vector_load_idx %arg11[%add3A_288, %broadcast_in_dim3A_337] : memref<1024x8xf32, #tpu.memory_space<vmem>>[vector<16xi32>, vector<16xi32>], vector<16xf32>,
        %mul3A_341 = arith.mulf %gather3A_340, %sub3A_298 : vector<16xf32>
        %gather3A_342 = tpu.vector_load_idx %arg11[%add3A_288, %broadcast_in_dim3A_339] : memref<1024x8xf32, #tpu.memory_space<vmem>>[vector<16xi32>, vector<16xi32>], vector<16xf32>,
        %mul3A_343 = arith.mulf %gather3A_342, %get3A_294 : vector<16xf32>
        %add3A_344 = arith.addf %mul3A_341, %mul3A_343 : vector<16xf32>
        %gather3A_345 = tpu.vector_load_idx %arg12[%add3A_288, %broadcast_in_dim3A_337] : memref<1024x8xf32, #tpu.memory_space<vmem>>[vector<16xi32>, vector<16xi32>], vector<16xf32>,
        %mul3A_346 = arith.mulf %gather3A_345, %sub3A_298 : vector<16xf32>
        %gather3A_347 = tpu.vector_load_idx %arg12[%add3A_288, %broadcast_in_dim3A_339] : memref<1024x8xf32, #tpu.memory_space<vmem>>[vector<16xi32>, vector<16xi32>], vector<16xf32>,
        %mul3A_348 = arith.mulf %gather3A_347, %get3A_294 : vector<16xf32>
        %add3A_349 = arith.addf %mul3A_346, %mul3A_348 : vector<16xf32>
        %add3A_350 = arith.addi %mul3A_291, %broadcast_in_dim3A_337 : vector<16xi32>
        %mul3A_351 = arith.mulf %add3A_344, %sub3A_301 : vector<16xf32>
        %mul3A_352 = arith.mulf %add3A_349, %get3A_296 : vector<16xf32>
        %add3A_353 = arith.addf %mul3A_351, %mul3A_352 : vector<16xf32>
        tpu.vector_store_idx %arg9[%add3A_350], %add3A_353 : memref<3072xf32, #tpu.memory_space<vmem>>[vector<16xi32>], vector<16xf32>,
        %scan3A_354 = arith.constant 1 : i32
        %scan3A_355 = arith.addi %scan3A_284, %scan3A_354 : i32
        %mul3A_356 = arith.constant 16 : i32
        %mul3A_357 = arith.muli %scan3A_355, %mul3A_356 : i32
        %add3A_358 = vector.broadcast %mul3A_357 : i32 to vector<16xi32>
        %add3A_359 = arith.addi %add3A_358, %iota3A : vector<16xi32>
        %mul3A_360 = arith.constant 3 : i32
        %mul3A_361 = vector.broadcast %mul3A_360 : i32 to vector<16xi32>
        %mul3A_362 = arith.muli %add3A_359, %mul3A_361 : vector<16xi32>
        %mul3A_363 = arith.constant 16 : i32
        %mul3A_364 = arith.muli %scan3A_355, %mul3A_363 : i32
        %get3A_365 = arith.index_cast %mul3A_364 : i32 to index
        %get3A_366 = tpu.vector_load %arg5[%get3A_365] {strides = array<i32>} : memref<1024xf32, #tpu.memory_space<vmem>>, vector<16xf32>,
        %get3A_367 = arith.index_cast %mul3A_364 : i32 to index
        %get3A_368 = tpu.vector_load %arg6[%get3A_367] {strides = array<i32>} : memref<1024xf32, #tpu.memory_space<vmem>>, vector<16xf32>,
        %sub3A_369 = arith.constant 1.000000e+00 : f32
        %sub3A_370 = vector.broadcast %sub3A_369 : f32 to vector<16xf32>
        %sub3A_371 = arith.subf %sub3A_370, %get3A_366 : vector<16xf32>
        %sub3A_372 = arith.constant 1.000000e+00 : f32
        %sub3A_373 = vector.broadcast %sub3A_372 : f32 to vector<16xf32>
        %sub3A_374 = arith.subf %sub3A_373, %get3A_368 : vector<16xf32>
        %broadcast_in_dim3A_375 = arith.constant 0 : i32
        %broadcast_in_dim3A_376 = vector.broadcast %broadcast_in_dim3A_375 : i32 to vector<16xi32>
        %broadcast_in_dim3A_377 = arith.constant 3 : i32
        %broadcast_in_dim3A_378 = vector.broadcast %broadcast_in_dim3A_377 : i32 to vector<16xi32>
        %gather3A_379 = tpu.vector_load_idx %arg11[%add3A_359, %broadcast_in_dim3A_376] : memref<1024x8xf32, #tpu.memory_space<vmem>>[vector<16xi32>, vector<16xi32>], vector<16xf32>,
        %mul3A_380 = arith.mulf %gather3A_379, %sub3A_371 : vector<16xf32>
        %gather3A_381 = tpu.vector_load_idx %arg11[%add3A_359, %broadcast_in_dim3A_378] : memref<1024x8xf32, #tpu.memory_space<vmem>>[vector<16xi32>, vector<16xi32>], vector<16xf32>,
        %mul3A_382 = arith.mulf %gather3A_381, %get3A_366 : vector<16xf32>
        %add3A_383 = arith.addf %mul3A_380, %mul3A_382 : vector<16xf32>
        %gather3A_384 = tpu.vector_load_idx %arg12[%add3A_359, %broadcast_in_dim3A_376] : memref<1024x8xf32, #tpu.memory_space<vmem>>[vector<16xi32>, vector<16xi32>], vector<16xf32>,
        %mul3A_385 = arith.mulf %gather3A_384, %sub3A_371 : vector<16xf32>
        %gather3A_386 = tpu.vector_load_idx %arg12[%add3A_359, %broadcast_in_dim3A_378] : memref<1024x8xf32, #tpu.memory_space<vmem>>[vector<16xi32>, vector<16xi32>], vector<16xf32>,
        %mul3A_387 = arith.mulf %gather3A_386, %get3A_366 : vector<16xf32>
        %add3A_388 = arith.addf %mul3A_385, %mul3A_387 : vector<16xf32>
        %add3A_389 = arith.addi %mul3A_362, %broadcast_in_dim3A_376 : vector<16xi32>
        %mul3A_390 = arith.mulf %add3A_383, %sub3A_374 : vector<16xf32>
        %mul3A_391 = arith.mulf %add3A_388, %get3A_368 : vector<16xf32>
        %add3A_392 = arith.addf %mul3A_390, %mul3A_391 : vector<16xf32>
        tpu.vector_store_idx %arg9[%add3A_389], %add3A_392 : memref<3072xf32, #tpu.memory_space<vmem>>[vector<16xi32>], vector<16xf32>,
        %broadcast_in_dim3A_393 = arith.constant 1 : i32
        %broadcast_in_dim3A_394 = vector.broadcast %broadcast_in_dim3A_393 : i32 to vector<16xi32>
        %broadcast_in_dim3A_395 = arith.constant 4 : i32
        %broadcast_in_dim3A_396 = vector.broadcast %broadcast_in_dim3A_395 : i32 to vector<16xi32>
        %gather3A_397 = tpu.vector_load_idx %arg11[%add3A_359, %broadcast_in_dim3A_394] : memref<1024x8xf32, #tpu.memory_space<vmem>>[vector<16xi32>, vector<16xi32>], vector<16xf32>,
        %mul3A_398 = arith.mulf %gather3A_397, %sub3A_371 : vector<16xf32>
        %gather3A_399 = tpu.vector_load_idx %arg11[%add3A_359, %broadcast_in_dim3A_396] : memref<1024x8xf32, #tpu.memory_space<vmem>>[vector<16xi32>, vector<16xi32>], vector<16xf32>,
        %mul3A_400 = arith.mulf %gather3A_399, %get3A_366 : vector<16xf32>
        %add3A_401 = arith.addf %mul3A_398, %mul3A_400 : vector<16xf32>
        %gather3A_402 = tpu.vector_load_idx %arg12[%add3A_359, %broadcast_in_dim3A_394] : memref<1024x8xf32, #tpu.memory_space<vmem>>[vector<16xi32>, vector<16xi32>], vector<16xf32>,
        %mul3A_403 = arith.mulf %gather3A_402, %sub3A_371 : vector<16xf32>
        %gather3A_404 = tpu.vector_load_idx %arg12[%add3A_359, %broadcast_in_dim3A_396] : memref<1024x8xf32, #tpu.memory_space<vmem>>[vector<16xi32>, vector<16xi32>], vector<16xf32>,
        %mul3A_405 = arith.mulf %gather3A_404, %get3A_366 : vector<16xf32>
        %add3A_406 = arith.addf %mul3A_403, %mul3A_405 : vector<16xf32>
        %add3A_407 = arith.addi %mul3A_362, %broadcast_in_dim3A_394 : vector<16xi32>
        %mul3A_408 = arith.mulf %add3A_401, %sub3A_374 : vector<16xf32>
        %mul3A_409 = arith.mulf %add3A_406, %get3A_368 : vector<16xf32>
        %add3A_410 = arith.addf %mul3A_408, %mul3A_409 : vector<16xf32>
        tpu.vector_store_idx %arg9[%add3A_407], %add3A_410 : memref<3072xf32, #tpu.memory_space<vmem>>[vector<16xi32>], vector<16xf32>,
        %broadcast_in_dim3A_411 = arith.constant 2 : i32
        %broadcast_in_dim3A_412 = vector.broadcast %broadcast_in_dim3A_411 : i32 to vector<16xi32>
        %broadcast_in_dim3A_413 = arith.constant 5 : i32
        %broadcast_in_dim3A_414 = vector.broadcast %broadcast_in_dim3A_413 : i32 to vector<16xi32>
        %gather3A_415 = tpu.vector_load_idx %arg11[%add3A_359, %broadcast_in_dim3A_412] : memref<1024x8xf32, #tpu.memory_space<vmem>>[vector<16xi32>, vector<16xi32>], vector<16xf32>,
        %mul3A_416 = arith.mulf %gather3A_415, %sub3A_371 : vector<16xf32>
        %gather3A_417 = tpu.vector_load_idx %arg11[%add3A_359, %broadcast_in_dim3A_414] : memref<1024x8xf32, #tpu.memory_space<vmem>>[vector<16xi32>, vector<16xi32>], vector<16xf32>,
        %mul3A_418 = arith.mulf %gather3A_417, %get3A_366 : vector<16xf32>
        %add3A_419 = arith.addf %mul3A_416, %mul3A_418 : vector<16xf32>
        %gather3A_420 = tpu.vector_load_idx %arg12[%add3A_359, %broadcast_in_dim3A_412] : memref<1024x8xf32, #tpu.memory_space<vmem>>[vector<16xi32>, vector<16xi32>], vector<16xf32>,
        %mul3A_421 = arith.mulf %gather3A_420, %sub3A_371 : vector<16xf32>
        %gather3A_422 = tpu.vector_load_idx %arg12[%add3A_359, %broadcast_in_dim3A_414] : memref<1024x8xf32, #tpu.memory_space<vmem>>[vector<16xi32>, vector<16xi32>], vector<16xf32>,
        %mul3A_423 = arith.mulf %gather3A_422, %get3A_366 : vector<16xf32>
        %add3A_424 = arith.addf %mul3A_421, %mul3A_423 : vector<16xf32>
        %add3A_425 = arith.addi %mul3A_362, %broadcast_in_dim3A_412 : vector<16xi32>
        %mul3A_426 = arith.mulf %add3A_419, %sub3A_374 : vector<16xf32>
        %mul3A_427 = arith.mulf %add3A_424, %get3A_368 : vector<16xf32>
        %add3A_428 = arith.addf %mul3A_426, %mul3A_427 : vector<16xf32>
        tpu.vector_store_idx %arg9[%add3A_425], %add3A_428 : memref<3072xf32, #tpu.memory_space<vmem>>[vector<16xi32>], vector<16xf32>,
      }
      %scan3A_281 = arith.constant 64 : i32
      %mul3A_282 = arith.constant 3 : i32
      %mul3A_283 = arith.muli %add3A_13, %mul3A_282 : i32
      "tpu.region"() ({
        %run_scoped3A = tpu.sem_alloc : memref<!tpu.dma_semaphore, #tpu.memory_space<semaphore_mem>>
        %dma_start3A_284 = tpu.memref_slice %arg4[%mul3A_283] : memref<3145728xf32, #tpu.memory_space<hbm>> -> memref<3072xf32, #tpu.memory_space<hbm>>
        %dma_start3A_285 = tpu.memref_slice %arg4[%mul3A_283] : memref<3145728xf32, #tpu.memory_space<hbm>> -> memref<3072xf32, #tpu.memory_space<hbm>>
        tpu.enqueue_dma source(%arg9 : memref<3072xf32, #tpu.memory_space<vmem>>) target(%dma_start3A_285 : memref<3072xf32, #tpu.memory_space<hbm>>) target_semaphore(%run_scoped3A : memref<!tpu.dma_semaphore, #tpu.memory_space<semaphore_mem>>)
        %dma_wait3A_286 = tpu.memref_slice %arg4[%mul3A_283] : memref<3145728xf32, #tpu.memory_space<hbm>> -> memref<3072xf32, #tpu.memory_space<hbm>>
        %dma_wait3A_287 = tpu.memref_slice %arg4[%mul3A_283] : memref<3145728xf32, #tpu.memory_space<hbm>> -> memref<3072xf32, #tpu.memory_space<hbm>>
        tpu.wait_dma2 semaphore(%run_scoped3A : memref<!tpu.dma_semaphore, #tpu.memory_space<semaphore_mem>>) src(%arg9 : memref<3072xf32, #tpu.memory_space<vmem>>) dst(%dma_wait3A_287 : memref<3072xf32, #tpu.memory_space<hbm>>)
        tpu.yield
      }) : () -> ()
    }
    %scan3A_9 = arith.constant 32 : i32
    return
  }
}

</mosaic_0001>

<sc_bundles>
// kernel: kernel.3.cloned.1.call-start
scs
__scs_entry_jumppad:
0x0: {  	(pc) =	sbr.rel $0x88, $3  }
0x1: {  	(tag) =	ssettag $0x0;
	lr =	simm.s32 $0x1  }
0x2: {  	[smem:$0x3F9F] =	sst lr;
	_ =	strace $0xD0000000  }
0x3: {  	_ = 	snop  }
0x4: {  	_ = 	snop  }
0x5: {  	_ = 	snop  }
0x6: {  	_ = 	snop  }
0x7: {  	_ = 	snop  }
__scs_overlays_trampoline_lowered:
0x8: {  	[smem:$0x3FAE] =	sst s0  }
0x9: {  	[smem:$0x3FAF] =	sst s1  }
0xa: {  	[smem:$0x3FB0] =	sst s2  }
0xb: {  	[smem:$0x3FB1] =	sst s3  }
0xc: {  	[smem:$0x3FB2] =	sst s4  }
0xd: {  	[smem:$0x3FB3] =	sst s5  }
0xe: {  	[smem:$0x3FB4] =	sst s6  }
0xf: {  	[smem:$0x3FB5] =	sst s7  }
0x10: {  	[smem:$0x3FB6] =	sst s8  }
0x11: {  	[smem:$0x3FB7] =	sst s9;
	s0 =	simm.s32 @!p0 $0x0  }
0x12: {  	s1 =	sld [smem:$0x3F9D];
	s0 =	simm.s32 @p0 $0x1  }
0x13: {  	[smem:$0x3FB8] =	sst s0;
	s0 =	simm.s32 @!p1 $0x0  }
0x14: {  	s2 =	sld [smem:$0x3F9C];
	s0 =	simm.s32 @p1 $0x1  }
0x15: {  	[smem:$0x3FB9] =	sst s0;
	s0 =	simm.s32 @!p2 $0x0  }
0x16: {  	s3 =	sld [smem:$0x3FDB];
	s0 =	simm.s32 @p2 $0x1  }
0x17: {  	s4 =	simm.s32 $0x1BF5;
	[smem:$0x3FBB] =	sst s0  }
0x18: {  	s0 =	sld [smem:$0x3F9E];
	_ =	swait.ge [sflag:s4], $0x0  }
0x19: {  	s7 =	sld [smem:$0x3F9F]  }
0x1a: {  	s8 =	sadd.s32 $0xFFFFE003, lr  }
0x1b: {  	s9 =	sadd.s32 $0xFFFFFEF7, lr;
	s5 =	simm.s32 $0xFFFFFFFF;
	p2 =	slt.u32 s8, $0xFFFFF086  }
0x1c: {  	p1 =	slt.u32 s9, $0xF7A;
	s5 =	simm.s32 @!p2 $0x0  }
0x1d: {  	s5 =	simm.s32 @p1 $0x1;
	p0 =	seq.s32 s7, s2  }
0x1e: {  	s7 =	smul.u32 @!p0 $0xF7A, s2;
	p2 =	seq.s32 @!p0 s5, $0x0  }
0x1f: {  	s9 =	smul.u32 $0xF7A, s1;
	s8 =	simm.s32 @!p0 $0x1BF5;
	p2 =	por !p2, p0  }
0x20: {  	[sflag:s8] =	ssyncset.s32 @!p0 $0xFFFFF086;
	s6 =	sadd.s32 @!p0 s3, s7;
	s7 =	simm.s32 @!p0 $0x108  }
0x21: {  	s3 =	sadd.s32 s3, s9;
	s6 =	sadd.s32 @!p0 $0x88, s6;
	s7 =	simm.s32 @p2 $0x1082  }
0x22: {  	[simem:s7], [sflag:s8] =	dma.local @!p0 [hbm:s6], $0xF7A  }
0x23: {  	s9 =	sor.u32 $0xD0000000, s2;
	s6 =	simm.s32 $0x108;
	_ =	swait.ge @!p0 [sflag:s8], $0x0  }
0x24: {  	s3 =	sadd.s32 $0x88, s3;
	s6 =	simm.s32 @!p1 $0x1082;
	[sflag:s4] =	ssyncset.s32 $0xFFFFF086  }
0x25: {  	[simem:s6], [sflag:s4] =	dma.local [hbm:s3], $0xF7A  }
0x26: {  	[smem:$0x3F9F] =	sst s1;
	(tag) =	ssettag s2;
	_ =	strace s9  }
0x27: {  	s1 =	sld [smem:$0x3FAF]  }
0x28: {  	s2 =	sld [smem:$0x3FB0]  }
0x29: {  	s4 =	sld [smem:$0x3FB2]  }
0x2a: {  	p0 =	seq.s32 s5, $0x0;
	s5 =	sld [smem:$0x3FB3]  }
0x2b: {  	s6 =	sld [smem:$0x3FB4]  }
0x2c: {  	s7 =	sld [smem:$0x3FB5]  }
0x2d: {  	s3 =	simm.s32 $0x108;
	s8 =	sld [smem:$0x3FB6]  }
0x2e: {  	s3 =	simm.s32 @!p0 $0x1082;
	s9 =	sld [smem:$0x3FB7]  }
0x2f: {  	lr =	sadd.s32 s0, s3;
	s0 =	sld [smem:$0x3FAE]  }
0x30: {  	s3 =	sld [smem:$0x3FB1]  }
0x31: {  	[smem:$0x3FBA] =	sst s10  }
0x32: {  	s10 =	sld [smem:$0x3FB8];
	_ =	sdelay $0x3  }
0x33: {  	p0 =	seq.s32 s10, $0x1;
	s10 =	sld [smem:$0x3FBA];
	_ =	sdelay $0x3  }
0x34: {  	[smem:$0x3FBA] =	sst s10  }
0x35: {  	s10 =	sld [smem:$0x3FB9];
	_ =	sdelay $0x3  }
0x36: {  	p1 =	seq.s32 s10, $0x1;
	s10 =	sld [smem:$0x3FBA];
	_ =	sdelay $0x3  }
0x37: {  	[smem:$0x3FBA] =	sst s10  }
0x38: {  	s10 =	sld [smem:$0x3FBB]  }
0x39: {  	_ = 	snop;
	(pc) =	sbr.ind lr, $3  }
0x3a: {  	_ = 	snop  }
0x3b: {  	_ = 	snop  }
0x3c: {  	p2 =	seq.s32 s10, $0x1;
	s10 =	sld [smem:$0x3FBA]  }
0x3d: {  	_ =	shalt  }
0x3e: {  	_ =	shalt  }
0x3f: {  	_ =	shalt  }
0x40: {  	_ =	shalt  }
0x41: {  	_ =	shalt  }
0x42: {  	_ =	shalt  }
0x43: {  	_ =	shalt  }
0x44: {  	_ =	shalt  }
0x45: {  	_ =	shalt  }
0x46: {  	_ =	shalt  }
0x47: {  	_ =	shalt  }
0x48: {  	_ =	shalt  }
0x49: {  	_ =	shalt  }
0x4a: {  	_ =	shalt  }
0x4b: {  	_ =	shalt  }
0x4c: {  	_ =	shalt  }
0x4d: {  	_ =	shalt  }
0x4e: {  	_ =	shalt  }
0x4f: {  	_ =	shalt  }
0x50: {  	_ =	shalt  }
0x51: {  	_ =	shalt  }
0x52: {  	_ =	shalt  }
0x53: {  	_ =	shalt  }
0x54: {  	_ =	shalt  }
0x55: {  	_ =	shalt  }
0x56: {  	_ =	shalt  }
0x57: {  	_ =	shalt  }
0x58: {  	_ =	shalt  }
0x59: {  	_ =	shalt  }
0x5a: {  	_ =	shalt  }
0x5b: {  	_ =	shalt  }
0x5c: {  	_ =	shalt  }
0x5d: {  	_ =	shalt  }
0x5e: {  	_ =	shalt  }
0x5f: {  	_ =	shalt  }
0x60: {  	_ =	shalt  }
0x61: {  	_ =	shalt  }
0x62: {  	_ =	shalt  }
0x63: {  	_ =	shalt  }
0x64: {  	_ =	shalt  }
0x65: {  	_ =	shalt  }
0x66: {  	_ =	shalt  }
0x67: {  	_ =	shalt  }
0x68: {  	_ =	shalt  }
0x69: {  	_ =	shalt  }
0x6a: {  	_ =	shalt  }
0x6b: {  	_ =	shalt  }
0x6c: {  	_ =	shalt  }
0x6d: {  	_ =	shalt  }
0x6e: {  	_ =	shalt  }
0x6f: {  	_ =	shalt  }
0x70: {  	_ =	shalt  }
0x71: {  	_ =	shalt  }
0x72: {  	_ =	shalt  }
0x73: {  	_ =	shalt  }
0x74: {  	_ =	shalt  }
0x75: {  	_ =	shalt  }
0x76: {  	_ =	shalt  }
0x77: {  	_ =	shalt  }
0x78: {  	_ =	shalt  }
0x79: {  	_ =	shalt  }
0x7a: {  	_ =	shalt  }
0x7b: {  	_ =	shalt  }
0x7c: {  	_ =	shalt  }
0x7d: {  	_ =	shalt  }
0x7e: {  	_ =	shalt  }
0x7f: {  	_ =	shalt  }
0x80: {  	_ =	shalt  }
0x81: {  	_ =	shalt  }
0x82: {  	_ =	shalt  }
0x83: {  	_ =	shalt  }
0x84: {  	_ =	shalt  }
0x85: {  	_ =	shalt  }
0x86: {  	_ =	shalt  }
0x87: {  	_ =	shalt  }
.Lfunc_end0:
.L_simem_size_0:
called_computation.2_lowered:
.L_overlay_start_0:
0x88: {  	s2 =	sld [smem:$0x3FD9]  }
0x89: {  	s3 =	sld [smem:$0x3FFE];
	_ =	sdelay $0x1  }
0x8a: {  	s1 =	srdreg.scid  }
0x8b: {  	s0 =	sand.u32 $0x1, s1  }
0x8c: {  	s17 =	sshll.u32 s0, $0xA;
	s2 =	sadd.s32 s3, s2  }
0x8d: {  	s2 =	sadd.s32 s2, s17  }
0x8e: {  	[smem:$0x3FC6] =	sst s2  }
0x8f: {  	_ = 	snop  }
0x90: {  	s2 =	sld [smem:$0x3FD0];
	(tm) =	ssettm $0x1  }
0x91: {  	s18 =	sld [smem:$0x3FFB];
	_ =	sdelay $0x3  }
0x92: {  	_ =	strace s18  }
0x93: {  	s3 =	sld [smem:$0x3FFC];
	_ =	sdelay $0x3  }
0x94: {  	_ =	strace s3  }
0x95: {  	s3 =	sld [smem:$0x3FFD];
	_ =	sdelay $0x3  }
0x96: {  	_ =	strace s3  }
0x97: {  	_ =	strace $0x8FFFFFFF  }
0x98: {  	s19 =	sld [smem:$0x3FDB];
	_ =	sdelay $0x1  }
0x99: {  	s4 =	simm.s32 $_scs_section_size  }
0x9a: {  	s5 =	simm.s32 $_size__tile_overlayer_lowered;
	s6 =	simm.s32 $_tile_overlayer_lowered  }
0x9b: {  	s22 =	simm.s32 $0x1BFF;
	s21 =	sshll.u32 s6, $0x1;
	s3 =	sadd.s32 s4, s19  }
0x9c: {  	s7 =	simm.s32 $0x0;
	s20 =	sshll.u32 s5, $0x1;
	s5 =	sadd.s32 s21, s3  }
0x9d: {  	[timem:s7], [sflag:s22] =	dma.local [hbm:s5], s20  }
0x9e: {  	_ =	swait.ge [sflag:s22], s20  }
0x9f: {  	s4 =	ssub.s32 $0x0, s20;
	[sflag:s22] =	ssyncset.done $0x0  }
0xa0: {  	[sflag:s22] =	ssyncadd.s32 s4;
	_ =	sdelay $0x1  }
0xa1: {  	s23 =	simm.s32 $0x1B8B  }
0xa2: {  	_ =	swait.ge [sflag:s23], $0x1  }
0xa3: {  	[sflag:s23] =	ssyncset.done $0x0  }
0xa4: {  	s25 =	simm.s32 $0x1B8E;
	s24 =	sld [smem:$0x3FFE];
	[sflag:s23] =	ssyncadd.s32 $0xFFFFFFFF  }
0xa5: {  	s26 =	simm.s32 $execute0_lowered;
	[smem:$0x3FD2] =	sst s25  }
0xa6: {  	s5 =	sshll.u32 s26, $0x1;
	_ =	strace $0x8000004C;
	[dreg:$0x1] =	wrdreg $0xFFFFFFFF  }
0xa7: {  	s28 =	simm.s32 $_size_execute0_lowered;
	s3 =	sadd.s32 s3, s5;
	[dreg:$0x0] =	wrdreg $0x0  }
0xa8: {  	s5 =	sshll.u32 s28, $0x1;
	[dreg:$0x2] =	wrdreg s3  }
0xa9: {  	[dreg:$0x3] =	wrdreg s5  }
0xaa: {  	[dreg:$0x4] =	wrdreg $0xC0  }
0xab: {  	_ =	task [dreg:s7], $0x5FFFF  }
0xac: {  	[dreg:$0x1] =	wrdreg $0xFFFFFFFF  }
0xad: {  	[dreg:$0x0] =	wrdreg $0x60  }
0xae: {  	[dreg:$0x2] =	wrdreg s24  }
0xaf: {  	[dreg:$0x3] =	wrdreg s2  }
0xb0: {  	[dreg:$0x4] =	wrdreg $0x9  }
0xb1: {  	_ =	task.clear_ibuf [dreg:s7], $0x5FFFF;
	_ =	strace $0x9000004C  }
0xb2: {  	s29 =	simm.s32 $0x9;
	_ =	strace $0x8000004E  }
0xb3: {  	_ =	swait.ge [sflag:s29], $0x1  }
0xb4: {  	[sflag:s29] =	ssyncadd.s32 $0xFFFFFFFF  }
0xb5: {  	_ =	strace $0x9000004E  }
0xb6: {  	_ =	sfence  }
0xb7: {  	s30 =	sld [smem:$0x0];
	_ =	sdelay $0x2  }
0xb8: {  	s31 =	sshll.u32 s1, $0xD;
	s1 =	sshrl.u32 s1, $0x2  }
0xb9: {  	s3 =	sand.u32 $0x4000, s31;
	s1 =	sadd.s32 s1, s30  }
0xba: {  	s0 =	sor.u32 s3, s0;
	s1 =	sshll.u32 s1, $0x11  }
0xbb: {  	s0 =	sor.u32 s1, s0  }
0xbc: {  	s0 =	sadd.s32 $0x8F2B, s0  }
0xbd: {  	[sflag:s0] =	ssyncadd.remote.s32 $0x1  }
0xbe: {  	_ =	sfence.sel $0xFFFF  }
0xbf: {  	[dreg:$0x0] =	wrdreg $0xFFFFFFFF;
	(pc) =	sbr.abs _section_cstart, $3  }
0xc0: {  	[dreg:$0x1] =	wrdreg $0xFFFFFFFF  }
0xc1: {  	_ =	task.clear_ibuf [dreg:s7], $0x2FFFF;
	_ =	strace $0x9FFFFFFF  }
0xc2: {  	(tm) =	ssettm $0x7FFFFFFF  }
0xc3: {  	_ =	shalt  }
tec
execute0_lowered:
.L_overlay_start_1:
0x0: {  	(tag) =	ssettag $0x1  }
0x1: {  	s0 =	rddreg [dreg:$0x0];
	s1 =	simm.s32 $0x0;
	s30 =	srdreg.scid  }
0x2: {  	s5 =	stileid.u32;
	s8 =	simm.s32 $0x5C00;
	s9 =	simm.s32 $0x2  }
0x3: {  	s10 =	simm.s32 $0x80;
	s12 =	simm.s32 $0x1C00;
	s14 =	simm.s32 $0x3C00  }
0x4: {  	s11 =	simm.s32 $0x3400;
	s13 =	simm.s32 $0xF00;
	s15 =	simm.s32 $0x5400  }
0x5: {  	s16 =	simm.s32 $0xB80;
	s17 =	simm.s32 $0x3800;
	s18 =	simm.s32 $0xF80  }
0x6: {  	s19 =	simm.s32 $0x5800;
	[smem:$0x7FF] =	sst s1;
	s1 =	sand.u32 $0x1, s30  }
0x7: {  	s20 =	simm.s32 $0x1;
	s21 =	simm.s32 $0x1000;
	s2 =	ssub.s32 $0x2, s1  }
0x8: {  	s4 =	sadd.s32 $0xE00, s0;
	s6 =	sshll.u32 s5, $0x10;
	s3 =	sshrl.u32 s2, $0x1  }
0x9: {  	s5 =	sadd.s32 $0x40E00, s0;
	s1 =	sshll.u32 s1, $0xF;
	s31 =	ssub.s32 s2, s3  }
0xa: {  	v0 =	vlaneseq.u32;
	_ =	strace $0x8000004D;
	s6 =	sor.u32 s1, s6;
	s0 =	smax.u32 s31, $0x1  }
0xb: {  	v1 =	vmul.u32 $0x2, v0;
	s1 =	simm.s32 $0x0;
	s2 =	simm.s32 $0xB00;
	[dreg:$0x3] =	wrdreg s0  }
.LBB2_1:
0xc: {  	[dreg:$0x4] =	wrdreg s1;
	s22 =	simm.s32 $0x0  }
.LBB2_2:
0xd: {  	s0 =	simm.s32 $0x0  }
0xe: {  	s3 =	sshll.u32 s22, $0xA;
	v2 =	vmov s0  }
0xf: {  	s23 =	sadd.s32 s6, s3;
	v2 =	vshll.u32 v2, $0x1  }
0x10: {  	s3 =	sshrl.u32 s23, $0x2;
	v2 =	vor.u32 v1, v2  }
0x11: {  	s3 =	sadd.s32 s4, s3;
	v3 =	vor.u32 $0x1, v2  }
0x12: {  	[tilespmem:s8], [sflag:$0x2] =	stream.linear.gather [hbm4b:s3+s0], $0x800, $0x38;
	[tilespmem:$0x6400] =	vst v63  }
0x13: {  	_ =	swait.ge [sflag:s9], $0x800  }
0x14: {  	[sflag:s9] =	ssyncset.done $0x0  }
0x15: {  	[sflag:s9] =	ssyncadd.s32 $0xFFFFF800  }
0x16: {  	v3 =	vld.idx.msk [tilespmem:v3+s8+$0x0], $0xffff  }
0x17: {  	v2 =	vld.idx.msk [tilespmem:v2+s8+$0x0], $0xffff;
	_ =	sdelay $0x3  }
0x18: {  	v3 =	vmul.f32 $2.048000000e+03, v3  }
0x19: {  	v2 =	vmul.f32 $2.048000000e+03, v2  }
0x1a: {  	v4 =	vtrunc.f32 v3  }
0x1b: {  	s26 =	simm.s32 $0x10;
	v5 =	vtrunc.f32 v2;
	v4 =	vcvt.f32.s32 v4  }
0x1c: {  	v6 =	vmov s26;
	v5 =	vcvt.f32.s32 v5  }
0x1d: {  	v6 =	vshll.u32 v6, $0x1;
	vm0 =	vgt.s32 v4, $0x0  }
0x1e: {  	v6 =	vor.u32 v1, v6;
	vm1 =	vgt.s32 v5, $0x0;
	v7 =	vnsel vm0, $0x0, v4  }
0x1f: {  	v8 =	vcvt.s32.f32 v5;
	v9 =	vnsel vm1, $0x0, v5;
	v7 =	vmin.u32 v7, $0x7FE  }
0x20: {  	v10 =	vcvt.s32.f32 v4;
	v9 =	vmin.u32 v9, $0x7FE;
	v7 =	vshll.u32 v7, $0xB  }
0x21: {  	s29 =	simm.s32 $0x810;
	v2 =	vsub.f32 v2, v8;
	v8 =	vor.u32 $0x1, v6;
	v7 =	vor.u32 v9, v7  }
0x22: {  	s26 =	simm.s32 $0xC10;
	vm14 =	vgt.s32 v5, $0x7FE;
	v3 =	vsub.f32 v3, v10;
	[tilespmem:s29+$0xFFFFFFF0] =	vst v7;
	v5 =	vadd.s32 $0x800, v7  }
0x23: {  	s28 =	simm.s32 $0x10;
	vm15 =	vgt.s32 v4, $0x7FE;
	v2 =	vsel vm14, $0x3F800000, v2;
	[tilespmem:s26+$0xFFFFFFF0] =	vst v5  }
0x24: {  	s31 =	simm.s32 $0x410;
	v3 =	vsel vm15, $0x3F800000, v3;
	[tilespmem:s28+$0xFFFFFFF0] =	vst v2  }
0x25: {  	[tilespmem:s31+$0xFFFFFFF0] =	vst v3  }
0x26: {  	v2 =	vld.idx.msk [tilespmem:v8+s8+$0x0], $0xffff  }
0x27: {  	v3 =	vld.idx.msk [tilespmem:v6+s8+$0x0], $0xffff;
	_ =	sdelay $0x3  }
0x28: {  	s30 =	simm.s32 $0x20;
	v4 =	vmul.f32 $2.048000000e+03, v2  }
0x29: {  	v6 =	vmov s30;
	v5 =	vmul.f32 $2.048000000e+03, v3  }
0x2a: {  	v2 =	vshll.u32 v6, $0x1;
	v6 =	vtrunc.f32 v4  }
0x2b: {  	s7 =	simm.s32 $0x2;
	s24 =	simm.s32 $0x430;
	v2 =	vor.u32 v1, v2;
	v8 =	vtrunc.f32 v5;
	v7 =	vcvt.f32.s32 v6  }
0x2c: {  	s25 =	simm.s32 $0x830;
	s3 =	simm.s32 $0xC10;
	s0 =	simm.s32 $0x10;
	v3 =	vor.u32 $0x1, v2;
	v6 =	vcvt.f32.s32 v8  }
.LBB2_3:
0x2d: {  	s7 =	sadd.s32 $0x2, s7;
	v8 =	vcvt.s32.f32 v7;
	vm0 =	vgt.s32 v7, $0x0;
	vm1 =	vgt.s32 v7, $0x7FE;
	s26 =	sadd.s32 $0x20, s26;
	s28 =	sadd.s32 $0x20, s28  }
0x2e: {  	p0 =	slt.u32 s7, $0x3E;
	v9 =	vcvt.s32.f32 v6;
	vm2 =	vgt.s32 v6, $0x0;
	v7 =	vnsel vm0, $0x0, v7  }
0x2f: {  	v4 =	vsub.f32 v4, v8;
	v8 =	vnsel vm2, $0x0, v6;
	v7 =	vmin.u32 v7, $0x7FE  }
0x30: {  	v5 =	vsub.f32 v5, v9;
	v8 =	vmin.u32 v8, $0x7FE;
	v7 =	vshll.u32 v7, $0xB  }
0x31: {  	vm0 =	vgt.s32 v6, $0x7FE;
	v4 =	vsel vm1, $0x3F800000, v4;
	v6 =	vor.u32 v8, v7  }
0x32: {  	v5 =	vsel vm0, $0x3F800000, v5;
	[tilespmem:s29+$0x0] =	vst v6;
	v6 =	vadd.s32 $0x800, v6;
	s29 =	smov.u32 s25  }
0x33: {  	[tilespmem:s3+$0x0] =	vst v6;
	s3 =	smov.u32 s26  }
0x34: {  	[tilespmem:s0+$0x0] =	vst v5;
	s0 =	smov.u32 s28  }
0x35: {  	[tilespmem:s31+$0x0] =	vst v4;
	s31 =	smov.u32 s24  }
0x36: {  	v3 =	vld.idx.msk [tilespmem:v3+s8+$0x0], $0xffff  }
0x37: {  	v2 =	vld.idx.msk [tilespmem:v2+s8+$0x0], $0xffff;
	_ =	sdelay $0x4  }
0x38: {  	s1 =	sadd.s32 $0x10, s30;
	v3 =	vmul.f32 $2.048000000e+03, v3  }
0x39: {  	v2 =	vmul.f32 $2.048000000e+03, v2  }
0x3a: {  	v5 =	vmov s1;
	v4 =	vtrunc.f32 v3  }
0x3b: {  	v5 =	vshll.u32 v5, $0x1;
	v6 =	vtrunc.f32 v2;
	v4 =	vcvt.f32.s32 v4  }
0x3c: {  	v5 =	vor.u32 v1, v5;
	v6 =	vcvt.f32.s32 v6  }
0x3d: {  	v8 =	vor.u32 $0x1, v5;
	v7 =	vcvt.s32.f32 v4;
	vm0 =	vgt.s32 v4, $0x0  }
0x3e: {  	v9 =	vcvt.s32.f32 v6;
	vm1 =	vgt.s32 v6, $0x0;
	v10 =	vnsel vm0, $0x0, v4  }
0x3f: {  	v3 =	vsub.f32 v3, v7;
	v7 =	vnsel vm1, $0x0, v6;
	v10 =	vmin.u32 v10, $0x7FE  }
0x40: {  	v2 =	vsub.f32 v2, v9;
	v7 =	vmin.u32 v7, $0x7FE;
	v9 =	vshll.u32 v10, $0xB  }
0x41: {  	vm0 =	vgt.s32 v6, $0x7FE;
	vm1 =	vgt.s32 v4, $0x7FE;
	v4 =	vor.u32 v7, v9  }
0x42: {  	v3 =	vsel vm1, $0x3F800000, v3;
	v2 =	vsel vm0, $0x3F800000, v2;
	[tilespmem:s25+$0xFFFFFFF0] =	vst v4;
	v4 =	vadd.s32 $0x800, v4  }
0x43: {  	[tilespmem:s26+$0xFFFFFFF0] =	vst v4  }
0x44: {  	[tilespmem:s28+$0xFFFFFFF0] =	vst v2  }
0x45: {  	[tilespmem:s24+$0xFFFFFFF0] =	vst v3  }
0x46: {  	v3 =	vld.idx.msk [tilespmem:v8+s8+$0x0], $0xffff  }
0x47: {  	v5 =	vld.idx.msk [tilespmem:v5+s8+$0x0], $0xffff;
	_ =	sdelay $0x1  }
0x48: {  	s30 =	sadd.s32 $0x20, s30  }
0x49: {  	v2 =	vmov s30  }
0x4a: {  	v2 =	vshll.u32 v2, $0x1  }
.Ltmp0:
0x4b: {  	v2 =	vor.u32 v1, v2;
	v4 =	vmul.f32 $2.048000000e+03, v3;
	(pc) =	sbr.rel @p0 .LBB2_3-.Ltmp0, $4  }
0x4c: {  	v3 =	vor.u32 $0x1, v2;
	v5 =	vmul.f32 $2.048000000e+03, v5  }
0x4d: {  	v6 =	vtrunc.f32 v4  }
0x4e: {  	v8 =	vtrunc.f32 v5;
	v7 =	vcvt.f32.s32 v6  }
0x4f: {  	s25 =	sadd.s32 $0x20, s25;
	s24 =	sadd.s32 $0x20, s24;
	v6 =	vcvt.f32.s32 v8  }
0x50: {  	vm0 =	vgt.s32 v7, $0x0  }
0x51: {  	vm1 =	vgt.s32 v6, $0x0;
	v8 =	vnsel vm0, $0x0, v7  }
0x52: {  	v9 =	vcvt.s32.f32 v6;
	v10 =	vnsel vm1, $0x0, v6;
	v8 =	vmin.u32 v8, $0x7FE  }
0x53: {  	v11 =	vcvt.s32.f32 v7;
	v10 =	vmin.u32 v10, $0x7FE;
	v8 =	vshll.u32 v8, $0xB  }
0x54: {  	v5 =	vsub.f32 v5, v9;
	v8 =	vor.u32 v10, v8  }
0x55: {  	vm6 =	vgt.s32 v6, $0x7FE;
	v4 =	vsub.f32 v4, v11;
	[tilespmem:s29+$0x0] =	vst v8;
	v6 =	vadd.s32 $0x800, v8  }
0x56: {  	vm7 =	vgt.s32 v7, $0x7FE;
	v5 =	vsel vm6, $0x3F800000, v5;
	[tilespmem:s3+$0x0] =	vst v6  }
0x57: {  	v4 =	vsel vm7, $0x3F800000, v4;
	[tilespmem:s0+$0x0] =	vst v5  }
0x58: {  	[tilespmem:s31+$0x0] =	vst v4  }
0x59: {  	v3 =	vld.idx.msk [tilespmem:v3+s8+$0x0], $0xffff  }
0x5a: {  	v2 =	vld.idx.msk [tilespmem:v2+s8+$0x0], $0xffff;
	_ =	sdelay $0x3  }
0x5b: {  	v3 =	vmul.f32 $2.048000000e+03, v3  }
0x5c: {  	v2 =	vmul.f32 $2.048000000e+03, v2  }
0x5d: {  	v4 =	vtrunc.f32 v3  }
0x5e: {  	s3 =	sadd.s32 $0x10, s30;
	v5 =	vtrunc.f32 v2;
	v4 =	vcvt.f32.s32 v4  }
0x5f: {  	v6 =	vmov s3;
	v5 =	vcvt.f32.s32 v5  }
0x60: {  	v6 =	vshll.u32 v6, $0x1;
	vm8 =	vgt.s32 v4, $0x0  }
0x61: {  	v6 =	vor.u32 v1, v6;
	vm9 =	vgt.s32 v5, $0x0;
	v7 =	vnsel vm8, $0x0, v4  }
0x62: {  	v8 =	vcvt.s32.f32 v5;
	v9 =	vnsel vm9, $0x0, v5;
	v7 =	vmin.u32 v7, $0x7FE  }
0x63: {  	v10 =	vcvt.s32.f32 v4;
	v9 =	vmin.u32 v9, $0x7FE;
	v7 =	vshll.u32 v7, $0xB  }
0x64: {  	v11 =	vor.u32 $0x1, v6;
	v2 =	vsub.f32 v2, v8;
	v7 =	vor.u32 v9, v7  }
0x65: {  	s7 =	sadd.s32 $0x20, s26;
	vm10 =	vgt.s32 v5, $0x7FE;
	v3 =	vsub.f32 v3, v10;
	[tilespmem:s25+$0xFFFFFFF0] =	vst v7;
	v5 =	vadd.s32 $0x800, v7  }
0x66: {  	s1 =	sadd.s32 $0x20, s28;
	vm11 =	vgt.s32 v4, $0x7FE;
	v2 =	vsel vm10, $0x3F800000, v2;
	[tilespmem:s7+$0xFFFFFFF0] =	vst v5  }
0x67: {  	v3 =	vsel vm11, $0x3F800000, v3;
	[tilespmem:s1+$0xFFFFFFF0] =	vst v2  }
0x68: {  	[tilespmem:s24+$0xFFFFFFF0] =	vst v3  }
0x69: {  	v2 =	vld.idx.msk [tilespmem:v11+s8+$0x0], $0xffff  }
0x6a: {  	v3 =	vld.idx.msk [tilespmem:v6+s8+$0x0], $0xffff;
	_ =	sdelay $0x3  }
0x6b: {  	v2 =	vmul.f32 $2.048000000e+03, v2  }
0x6c: {  	v3 =	vmul.f32 $2.048000000e+03, v3  }
0x6d: {  	v4 =	vtrunc.f32 v2  }
0x6e: {  	v5 =	vtrunc.f32 v3;
	v4 =	vcvt.f32.s32 v4  }
0x6f: {  	v5 =	vcvt.f32.s32 v5  }
0x70: {  	vm12 =	vgt.s32 v4, $0x0  }
0x71: {  	vm13 =	vgt.s32 v5, $0x0;
	v6 =	vnsel vm12, $0x0, v4  }
0x72: {  	v7 =	vcvt.s32.f32 v5;
	v8 =	vnsel vm13, $0x0, v5;
	v6 =	vmin.u32 v6, $0x7FE  }
0x73: {  	v9 =	vcvt.s32.f32 v4;
	v8 =	vmin.u32 v8, $0x7FE;
	v6 =	vshll.u32 v6, $0xB  }
0x74: {  	v3 =	vsub.f32 v3, v7;
	v6 =	vor.u32 v8, v6  }
0x75: {  	vm14 =	vgt.s32 v5, $0x7FE;
	v2 =	vsub.f32 v2, v9;
	[tilespmem:s25+$0x0] =	vst v6;
	v5 =	vadd.s32 $0x800, v6  }
0x76: {  	vm15 =	vgt.s32 v4, $0x7FE;
	v3 =	vsel vm14, $0x3F800000, v3;
	[tilespmem:s7+$0x0] =	vst v5  }
0x77: {  	v2 =	vsel vm15, $0x3F800000, v2;
	[tilespmem:s1+$0x0] =	vst v3  }
0x78: {  	[tilespmem:s24+$0x0] =	vst v2;
	s24 =	simm.s32 $0x800  }
0x79: {  	[tilespmem:s12], [sflag:$0x1] =	stream.indirect.gather [hbm4b:s5+s10], $0x8, s24, s10, $0xb8;
	[tilespmem:$0x6400] =	vst v63  }
0x7a: {  	s25 =	simm.s32 $0xC00  }
0x7b: {  	[tilespmem:s14], [sflag:$0x1] =	stream.indirect.gather [hbm4b:s5+s10], $0x8, s25, s10, $0xb8;
	[tilespmem:$0x6400] =	vst v63  }
0x7c: {  	s26 =	simm.s32 $0x880;
	s29 =	simm.s32 $0x2000  }
0x7d: {  	[tilespmem:s29], [sflag:$0x1] =	stream.indirect.gather [hbm4b:s5+s10], $0x8, s26, s10, $0xb8;
	[tilespmem:$0x6400] =	vst v63  }
0x7e: {  	s30 =	simm.s32 $0xC80;
	s31 =	simm.s32 $0x4000  }
0x7f: {  	[tilespmem:s31], [sflag:$0x1] =	stream.indirect.gather [hbm4b:s5+s10], $0x8, s30, s10, $0xb8;
	[tilespmem:$0x6400] =	vst v63  }
0x80: {  	s3 =	simm.s32 $0x900;
	s7 =	simm.s32 $0x2400  }
0x81: {  	[tilespmem:s7], [sflag:$0x1] =	stream.indirect.gather [hbm4b:s5+s10], $0x8, s3, s10, $0xb8;
	[tilespmem:$0x6400] =	vst v63  }
0x82: {  	s24 =	simm.s32 $0xD00;
	s25 =	simm.s32 $0x4400  }
0x83: {  	[tilespmem:s25], [sflag:$0x1] =	stream.indirect.gather [hbm4b:s5+s10], $0x8, s24, s10, $0xb8;
	[tilespmem:$0x6400] =	vst v63  }
0x84: {  	s26 =	simm.s32 $0x980;
	s29 =	simm.s32 $0x2800  }
0x85: {  	[tilespmem:s29], [sflag:$0x1] =	stream.indirect.gather [hbm4b:s5+s10], $0x8, s26, s10, $0xb8;
	[tilespmem:$0x6400] =	vst v63  }
0x86: {  	s30 =	simm.s32 $0xD80;
	s31 =	simm.s32 $0x4800  }
0x87: {  	[tilespmem:s31], [sflag:$0x1] =	stream.indirect.gather [hbm4b:s5+s10], $0x8, s30, s10, $0xb8;
	[tilespmem:$0x6400] =	vst v63  }
0x88: {  	s1 =	simm.s32 $0xA00;
	s3 =	simm.s32 $0x2C00  }
0x89: {  	[tilespmem:s3], [sflag:$0x1] =	stream.indirect.gather [hbm4b:s5+s10], $0x8, s1, s10, $0xb8;
	[tilespmem:$0x6400] =	vst v63  }
0x8a: {  	s7 =	simm.s32 $0xE00;
	s24 =	simm.s32 $0x4C00  }
0x8b: {  	[tilespmem:s24], [sflag:$0x1] =	stream.indirect.gather [hbm4b:s5+s10], $0x8, s7, s10, $0xb8;
	[tilespmem:$0x6400] =	vst v63  }
0x8c: {  	s25 =	simm.s32 $0xA80;
	s26 =	simm.s32 $0x3000  }
0x8d: {  	[tilespmem:s26], [sflag:$0x1] =	stream.indirect.gather [hbm4b:s5+s10], $0x8, s25, s10, $0xb8;
	[tilespmem:$0x6400] =	vst v63  }
0x8e: {  	s29 =	simm.s32 $0xE80;
	s30 =	simm.s32 $0x5000  }
0x8f: {  	[tilespmem:s30], [sflag:$0x1] =	stream.indirect.gather [hbm4b:s5+s10], $0x8, s29, s10, $0xb8;
	[tilespmem:$0x6400] =	vst v63  }
0x90: {  	_ = 	snop  }
0x91: {  	[tilespmem:s11], [sflag:$0x1] =	stream.indirect.gather [hbm4b:s5+s10], $0x8, s2, s10, $0xb8;
	[tilespmem:$0x6400] =	vst v63  }
0x92: {  	_ = 	snop  }
0x93: {  	[tilespmem:s15], [sflag:$0x1] =	stream.indirect.gather [hbm4b:s5+s10], $0x8, s13, s10, $0xb8;
	[tilespmem:$0x6400] =	vst v63  }
0x94: {  	_ = 	snop  }
0x95: {  	[tilespmem:s17], [sflag:$0x1] =	stream.indirect.gather [hbm4b:s5+s10], $0x8, s16, s10, $0xb8;
	[tilespmem:$0x6400] =	vst v63  }
0x96: {  	_ = 	snop  }
0x97: {  	[tilespmem:s19], [sflag:$0x1] =	stream.indirect.gather [hbm4b:s5+s10], $0x8, s18, s10, $0xb8;
	[tilespmem:$0x6400] =	vst v63  }
0x98: {  	_ =	swait.ge [sflag:s20], $0x400  }
0x99: {  	[sflag:s20] =	ssyncset.done $0x0  }
0x9a: {  	[sflag:s20] =	ssyncadd.s32 $0xFFFFFC00  }
0x9b: {  	_ =	swait.ge [sflag:s20], $0x400  }
0x9c: {  	[sflag:s20] =	ssyncset.done $0x0  }
0x9d: {  	[sflag:s20] =	ssyncadd.s32 $0xFFFFFC00  }
0x9e: {  	_ =	swait.ge [sflag:s20], $0x400  }
0x9f: {  	[sflag:s20] =	ssyncset.done $0x0  }
0xa0: {  	[sflag:s20] =	ssyncadd.s32 $0xFFFFFC00  }
0xa1: {  	_ =	swait.ge [sflag:s20], $0x400  }
0xa2: {  	[sflag:s20] =	ssyncset.done $0x0  }
0xa3: {  	[sflag:s20] =	ssyncadd.s32 $0xFFFFFC00  }
0xa4: {  	_ =	swait.ge [sflag:s20], $0x400  }
0xa5: {  	[sflag:s20] =	ssyncset.done $0x0  }
0xa6: {  	[sflag:s20] =	ssyncadd.s32 $0xFFFFFC00  }
0xa7: {  	_ =	swait.ge [sflag:s20], $0x400  }
0xa8: {  	[sflag:s20] =	ssyncset.done $0x0  }
0xa9: {  	[sflag:s20] =	ssyncadd.s32 $0xFFFFFC00  }
0xaa: {  	_ =	swait.ge [sflag:s20], $0x400  }
0xab: {  	[sflag:s20] =	ssyncset.done $0x0  }
0xac: {  	[sflag:s20] =	ssyncadd.s32 $0xFFFFFC00  }
0xad: {  	_ =	swait.ge [sflag:s20], $0x400  }
0xae: {  	[sflag:s20] =	ssyncset.done $0x0  }
0xaf: {  	[sflag:s20] =	ssyncadd.s32 $0xFFFFFC00  }
0xb0: {  	_ =	swait.ge [sflag:s20], $0x400  }
0xb1: {  	[sflag:s20] =	ssyncset.done $0x0  }
0xb2: {  	[sflag:s20] =	ssyncadd.s32 $0xFFFFFC00  }
0xb3: {  	_ =	swait.ge [sflag:s20], $0x400  }
0xb4: {  	[sflag:s20] =	ssyncset.done $0x0  }
0xb5: {  	[sflag:s20] =	ssyncadd.s32 $0xFFFFFC00  }
0xb6: {  	_ =	swait.ge [sflag:s20], $0x400  }
0xb7: {  	[sflag:s20] =	ssyncset.done $0x0  }
0xb8: {  	[sflag:s20] =	ssyncadd.s32 $0xFFFFFC00  }
0xb9: {  	_ =	swait.ge [sflag:s20], $0x400  }
0xba: {  	[sflag:s20] =	ssyncset.done $0x0  }
0xbb: {  	[sflag:s20] =	ssyncadd.s32 $0xFFFFFC00  }
0xbc: {  	_ =	swait.ge [sflag:s20], $0x400  }
0xbd: {  	[sflag:s20] =	ssyncset.done $0x0  }
0xbe: {  	[sflag:s20] =	ssyncadd.s32 $0xFFFFFC00  }
0xbf: {  	_ =	swait.ge [sflag:s20], $0x400  }
0xc0: {  	[sflag:s20] =	ssyncset.done $0x0  }
0xc1: {  	[sflag:s20] =	ssyncadd.s32 $0xFFFFFC00  }
0xc2: {  	s31 =	simm.s32 $0x0;
	_ =	swait.ge [sflag:s20], $0x400  }
0xc3: {  	v2 =	vor.u32 s31, v0;
	[sflag:s20] =	ssyncset.done $0x0  }
0xc4: {  	v3 =	vshll.u32 v2, $0x3;
	[sflag:s20] =	ssyncadd.s32 $0xFFFFFC00  }
0xc5: {  	_ =	swait.ge [sflag:s20], $0x400  }
0xc6: {  	v4 =	vor.u32 $0x3, v3;
	[sflag:s20] =	ssyncset.done $0x0  }
0xc7: {  	s24 =	simm.s32 $0x10;
	[sflag:s20] =	ssyncadd.s32 $0xFFFFFC00  }
0xc8: {  	v5 =	vld [tilespmem:s24+$0xFFFFFFF0]  }
0xc9: {  	v6 =	vld.idx.msk [tilespmem:v3+s12+$0x0], $0xffff  }
0xca: {  	v7 =	vld.idx.msk [tilespmem:v3+s14+$0x0], $0xffff  }
0xcb: {  	v8 =	vld.idx.msk [tilespmem:v4+s12+$0x0], $0xffff  }
0xcc: {  	v4 =	vld.idx.msk [tilespmem:v4+s14+$0x0], $0xffff  }
0xcd: {  	s25 =	simm.s32 $0x410  }
0xce: {  	v10 =	vld [tilespmem:s25+$0xFFFFFFF0];
	v9 =	vsub.f32 $1.000000000e+00, v5;
	_ =	sdelay $0x1  }
0xcf: {  	v8 =	vmul.f32 v8, v5;
	v6 =	vmul.f32 v6, v9  }
0xd0: {  	v4 =	vmul.f32 v4, v5;
	v7 =	vmul.f32 v7, v9  }
0xd1: {  	v6 =	vadd.f32 v8, v6  }
0xd2: {  	v2 =	vmul.u32 $0x3, v2;
	v8 =	vsub.f32 $1.000000000e+00, v10;
	v4 =	vadd.f32 v4, v7;
	_ =	sdelay $0x1  }
0xd3: {  	v7 =	vor.u32 $0x4, v3;
	v6 =	vmul.f32 v6, v8;
	v4 =	vmul.f32 v4, v10;
	_ =	sdelay $0x1  }
0xd4: {  	v4 =	vadd.f32 v4, v6;
	v6 =	vor.u32 $0x1, v3;
	_ =	sdelay $0x1  }
0xd5: {  	[tilespmem:v2+s21+$0x0] =	vst.idx.msk $0xffff, v4  }
0xd6: {  	v4 =	vld.idx.msk [tilespmem:v7+s14+$0x0], $0xffff  }
0xd7: {  	v7 =	vld.idx.msk [tilespmem:v7+s12+$0x0], $0xffff  }
0xd8: {  	v11 =	vld.idx.msk [tilespmem:v6+s14+$0x0], $0xffff  }
0xd9: {  	v6 =	vld.idx.msk [tilespmem:v6+s12+$0x0], $0xffff;
	_ =	sdelay $0x3  }
0xda: {  	v7 =	vmul.f32 v7, v5;
	v4 =	vmul.f32 v4, v5  }
0xdb: {  	v11 =	vmul.f32 v11, v9;
	v6 =	vmul.f32 v6, v9;
	_ =	sdelay $0x1  }
0xdc: {  	v4 =	vadd.f32 v4, v11;
	v6 =	vadd.f32 v7, v6  }
0xdd: {  	v7 =	vadd.s32 $0x1, v2  }
0xde: {  	v11 =	vor.u32 $0x2, v3;
	v4 =	vmul.f32 v4, v10;
	v6 =	vmul.f32 v6, v8  }
0xdf: {  	v3 =	vor.u32 $0x5, v3  }
0xe0: {  	v4 =	vadd.f32 v4, v6;
	_ =	sdelay $0x1  }
0xe1: {  	[tilespmem:v7+s21+$0x0] =	vst.idx.msk $0xffff, v4  }
0xe2: {  	v4 =	vld.idx.msk [tilespmem:v11+s12+$0x0], $0xffff  }
0xe3: {  	v6 =	vld.idx.msk [tilespmem:v3+s12+$0x0], $0xffff  }
0xe4: {  	v7 =	vld.idx.msk [tilespmem:v11+s14+$0x0], $0xffff  }
0xe5: {  	v3 =	vld.idx.msk [tilespmem:v3+s14+$0x0], $0xffff;
	_ =	sdelay $0x3  }
0xe6: {  	v4 =	vmul.f32 v4, v9;
	v6 =	vmul.f32 v6, v5  }
0xe7: {  	v7 =	vmul.f32 v7, v9;
	v3 =	vmul.f32 v3, v5;
	_ =	sdelay $0x1  }
0xe8: {  	v5 =	vor.u32 s24, v0;
	v4 =	vadd.f32 v6, v4;
	v3 =	vadd.f32 v3, v7  }
0xe9: {  	v2 =	vadd.s32 $0x2, v2;
	v11 =	vshll.u32 v5, $0x3  }
0xea: {  	v6 =	vor.u32 $0x3, v11;
	v4 =	vmul.f32 v4, v8;
	v3 =	vmul.f32 v3, v10;
	_ =	sdelay $0x1  }
0xeb: {  	v3 =	vadd.f32 v3, v4;
	_ =	sdelay $0x1  }
0xec: {  	[tilespmem:v2+s21+$0x0] =	vst.idx.msk $0xffff, v3  }
0xed: {  	v7 =	vld.idx.msk [tilespmem:v6+s14+$0x0], $0xffff  }
0xee: {  	v3 =	vld [tilespmem:s24+$0x0]  }
0xef: {  	v8 =	vld.idx.msk [tilespmem:v11+s12+$0x0], $0xffff  }
0xf0: {  	v6 =	vld.idx.msk [tilespmem:v6+s12+$0x0], $0xffff  }
0xf1: {  	v9 =	vld.idx.msk [tilespmem:v11+s14+$0x0], $0xffff;
	_ =	sdelay $0x1  }
0xf2: {  	v2 =	vld [tilespmem:s25+$0x0];
	v4 =	vsub.f32 $1.000000000e+00, v3;
	_ =	sdelay $0x1  }
0xf3: {  	v6 =	vmul.f32 v6, v3;
	v8 =	vmul.f32 v8, v4  }
0xf4: {  	v7 =	vmul.f32 v7, v3;
	v9 =	vmul.f32 v9, v4  }
0xf5: {  	v8 =	vadd.f32 v6, v8  }
0xf6: {  	v7 =	vadd.f32 v7, v9;
	v6 =	vmul.u32 $0x3, v5;
	v5 =	vsub.f32 $1.000000000e+00, v2;
	_ =	sdelay $0x1  }
0xf7: {  	v9 =	vor.u32 $0x1, v11;
	v7 =	vmul.f32 v7, v2;
	v8 =	vmul.f32 v8, v5  }
0xf8: {  	v10 =	vor.u32 $0x4, v11  }
0xf9: {  	v7 =	vadd.f32 v7, v8;
	_ =	sdelay $0x1  }
0xfa: {  	[tilespmem:v6+s21+$0x0] =	vst.idx.msk $0xffff, v7  }
0xfb: {  	v7 =	vld.idx.msk [tilespmem:v9+s12+$0x0], $0xffff  }
0xfc: {  	v8 =	vld.idx.msk [tilespmem:v10+s12+$0x0], $0xffff  }
0xfd: {  	v9 =	vld.idx.msk [tilespmem:v9+s14+$0x0], $0xffff  }
0xfe: {  	v10 =	vld.idx.msk [tilespmem:v10+s14+$0x0], $0xffff;
	_ =	sdelay $0x3  }
0xff: {  	v7 =	vmul.f32 v7, v4;
	v8 =	vmul.f32 v8, v3  }
0x100: {  	v9 =	vmul.f32 v9, v4;
	v10 =	vmul.f32 v10, v3;
	_ =	sdelay $0x1  }
0x101: {  	v7 =	vadd.f32 v8, v7;
	v8 =	vadd.f32 v10, v9  }
0x102: {  	v9 =	vadd.s32 $0x1, v6  }
0x103: {  	v10 =	vmul.f32 v7, v5;
	v12 =	vmul.f32 v8, v2;
	v7 =	vor.u32 $0x5, v11  }
0x104: {  	v8 =	vor.u32 $0x2, v11  }
0x105: {  	v10 =	vadd.f32 v12, v10  }
0x106: {  	s28 =	simm.s32 $0x30;
	s26 =	simm.s32 $0x0  }
.LBB2_5:
0x107: {  	s26 =	sadd.s32 $0x2, s26;
	[tilespmem:v9+s21+$0x0] =	vst.idx.msk $0xffff, v10;
	s24 =	sadd.s32 $0x20, s24;
	s25 =	sadd.s32 $0x20, s25  }
0x108: {  	p0 =	slt.u32 s26, $0x3E;
	v9 =	vld.idx.msk [tilespmem:v7+s14+$0x0], $0xffff  }
0x109: {  	v10 =	vld.idx.msk [tilespmem:v8+s12+$0x0], $0xffff  }
0x10a: {  	v7 =	vld.idx.msk [tilespmem:v7+s12+$0x0], $0xffff  }
0x10b: {  	v8 =	vld.idx.msk [tilespmem:v8+s14+$0x0], $0xffff;
	_ =	sdelay $0x2  }
0x10c: {  	v9 =	vmul.f32 v9, v3  }
0x10d: {  	v10 =	vmul.f32 v10, v4  }
0x10e: {  	v3 =	vmul.f32 v7, v3  }
0x10f: {  	v4 =	vmul.f32 v8, v4  }
0x110: {  	v3 =	vadd.f32 v3, v10  }
0x111: {  	v6 =	vadd.s32 $0x2, v6;
	v4 =	vadd.f32 v9, v4  }
0x112: {  	s0 =	sadd.s32 $0xFFFFFFF0, s28;
	v3 =	vmul.f32 v3, v5  }
0x113: {  	v5 =	vor.u32 s0, v0;
	v2 =	vmul.f32 v4, v2  }
0x114: {  	v4 =	vshll.u32 v5, $0x3  }
0x115: {  	v7 =	vor.u32 $0x3, v4;
	v2 =	vadd.f32 v2, v3;
	_ =	sdelay $0x1  }
0x116: {  	[tilespmem:v6+s21+$0x0] =	vst.idx.msk $0xffff, v2  }
0x117: {  	v2 =	vld [tilespmem:s24+$0xFFFFFFF0]  }
0x118: {  	v3 =	vld.idx.msk [tilespmem:v4+s12+$0x0], $0xffff  }
0x119: {  	v6 =	vld.idx.msk [tilespmem:v4+s14+$0x0], $0xffff  }
0x11a: {  	v8 =	vld.idx.msk [tilespmem:v7+s12+$0x0], $0xffff  }
0x11b: {  	v7 =	vld.idx.msk [tilespmem:v7+s14+$0x0], $0xffff;
	_ =	sdelay $0x1  }
0x11c: {  	v9 =	vsub.f32 $1.000000000e+00, v2  }
0x11d: {  	v10 =	vld [tilespmem:s25+$0xFFFFFFF0]  }
0x11e: {  	v3 =	vmul.f32 v3, v9  }
0x11f: {  	v8 =	vmul.f32 v8, v2  }
0x120: {  	v6 =	vmul.f32 v6, v9;
	v7 =	vmul.f32 v7, v2  }
0x121: {  	v3 =	vadd.f32 v8, v3  }
0x122: {  	v5 =	vmul.u32 $0x3, v5;
	v6 =	vadd.f32 v7, v6;
	v8 =	vsub.f32 $1.000000000e+00, v10;
	_ =	sdelay $0x1  }
0x123: {  	v7 =	vor.u32 $0x4, v4;
	v6 =	vmul.f32 v6, v10;
	v3 =	vmul.f32 v3, v8;
	_ =	sdelay $0x1  }
0x124: {  	v3 =	vadd.f32 v6, v3;
	v6 =	vor.u32 $0x1, v4;
	_ =	sdelay $0x1  }
0x125: {  	[tilespmem:v5+s21+$0x0] =	vst.idx.msk $0xffff, v3  }
0x126: {  	v3 =	vld.idx.msk [tilespmem:v7+s14+$0x0], $0xffff  }
0x127: {  	v7 =	vld.idx.msk [tilespmem:v7+s12+$0x0], $0xffff  }
0x128: {  	v11 =	vld.idx.msk [tilespmem:v6+s14+$0x0], $0xffff  }
0x129: {  	v6 =	vld.idx.msk [tilespmem:v6+s12+$0x0], $0xffff;
	_ =	sdelay $0x3  }
0x12a: {  	v7 =	vmul.f32 v7, v2  }
0x12b: {  	v3 =	vmul.f32 v3, v2;
	v11 =	vmul.f32 v11, v9  }
0x12c: {  	v6 =	vmul.f32 v6, v9  }
0x12d: {  	v3 =	vadd.f32 v3, v11  }
0x12e: {  	v6 =	vadd.f32 v7, v6  }
0x12f: {  	v7 =	vadd.s32 $0x1, v5;
	v3 =	vmul.f32 v3, v10  }
0x130: {  	v11 =	vor.u32 $0x2, v4;
	v6 =	vmul.f32 v6, v8  }
0x131: {  	v4 =	vor.u32 $0x5, v4  }
0x132: {  	v3 =	vadd.f32 v3, v6;
	_ =	sdelay $0x1  }
0x133: {  	[tilespmem:v7+s21+$0x0] =	vst.idx.msk $0xffff, v3  }
0x134: {  	v3 =	vld.idx.msk [tilespmem:v11+s12+$0x0], $0xffff  }
0x135: {  	v6 =	vld.idx.msk [tilespmem:v4+s12+$0x0], $0xffff  }
0x136: {  	v7 =	vld.idx.msk [tilespmem:v11+s14+$0x0], $0xffff  }
0x137: {  	v4 =	vld.idx.msk [tilespmem:v4+s14+$0x0], $0xffff;
	_ =	sdelay $0x3  }
0x138: {  	v3 =	vmul.f32 v3, v9;
	v6 =	vmul.f32 v6, v2;
	_ =	sdelay $0x1  }
0x139: {  	v3 =	vadd.f32 v6, v3;
	v6 =	vmul.f32 v7, v9;
	v2 =	vmul.f32 v4, v2;
	_ =	sdelay $0x1  }
0x13a: {  	v2 =	vadd.f32 v2, v6;
	v6 =	vor.u32 s28, v0  }
0x13b: {  	v4 =	vadd.s32 $0x2, v5;
	v11 =	vshll.u32 v6, $0x3  }
0x13c: {  	v3 =	vmul.f32 v3, v8;
	v2 =	vmul.f32 v2, v10;
	v5 =	vor.u32 $0x3, v11;
	_ =	sdelay $0x1  }
0x13d: {  	v2 =	vadd.f32 v2, v3;
	_ =	sdelay $0x1  }
0x13e: {  	[tilespmem:v4+s21+$0x0] =	vst.idx.msk $0xffff, v2  }
0x13f: {  	v7 =	vld.idx.msk [tilespmem:v5+s14+$0x0], $0xffff  }
0x140: {  	v8 =	vld.idx.msk [tilespmem:v11+s12+$0x0], $0xffff  }
0x141: {  	v5 =	vld.idx.msk [tilespmem:v5+s12+$0x0], $0xffff  }
0x142: {  	v3 =	vld [tilespmem:s24+$0x0]  }
0x143: {  	v9 =	vld.idx.msk [tilespmem:v11+s14+$0x0], $0xffff;
	_ =	sdelay $0x2  }
0x144: {  	v2 =	vld [tilespmem:s25+$0x0]  }
0x145: {  	v4 =	vsub.f32 $1.000000000e+00, v3;
	v5 =	vmul.f32 v5, v3  }
0x146: {  	v7 =	vmul.f32 v7, v3  }
0x147: {  	v8 =	vmul.f32 v8, v4;
	v9 =	vmul.f32 v9, v4;
	_ =	sdelay $0x1  }
0x148: {  	v8 =	vadd.f32 v5, v8;
	v7 =	vadd.f32 v7, v9  }
0x149: {  	v6 =	vmul.u32 $0x3, v6;
	v5 =	vsub.f32 $1.000000000e+00, v2  }
0x14a: {  	v7 =	vmul.f32 v7, v2  }
0x14b: {  	v9 =	vor.u32 $0x1, v11;
	v8 =	vmul.f32 v8, v5  }
0x14c: {  	v10 =	vor.u32 $0x4, v11  }
0x14d: {  	v7 =	vadd.f32 v7, v8;
	_ =	sdelay $0x1  }
0x14e: {  	[tilespmem:v6+s21+$0x0] =	vst.idx.msk $0xffff, v7  }
0x14f: {  	v7 =	vld.idx.msk [tilespmem:v9+s12+$0x0], $0xffff  }
0x150: {  	v8 =	vld.idx.msk [tilespmem:v10+s12+$0x0], $0xffff  }
0x151: {  	v9 =	vld.idx.msk [tilespmem:v9+s14+$0x0], $0xffff  }
0x152: {  	v10 =	vld.idx.msk [tilespmem:v10+s14+$0x0], $0xffff;
	_ =	sdelay $0x2  }
0x153: {  	v7 =	vmul.f32 v7, v4  }
0x154: {  	v8 =	vmul.f32 v8, v3  }
0x155: {  	v9 =	vmul.f32 v9, v4  }
0x156: {  	v7 =	vadd.f32 v8, v7;
	v8 =	vmul.f32 v10, v3;
	_ =	sdelay $0x1  }
0x157: {  	v8 =	vadd.f32 v8, v9;
	v10 =	vmul.f32 v7, v5  }
.Ltmp1:
0x158: {  	v9 =	vadd.s32 $0x1, v6;
	(pc) =	sbr.rel @p0 .LBB2_5-.Ltmp1, $4  }
0x159: {  	v7 =	vor.u32 $0x5, v11;
	v12 =	vmul.f32 v8, v2  }
0x15a: {  	v8 =	vor.u32 $0x2, v11  }
0x15b: {  	v10 =	vadd.f32 v12, v10  }
0x15c: {  	s28 =	sadd.s32 $0x20, s28  }
0x15d: {  	_ =	sdelay $0x3  }
0x15e: {  	[tilespmem:v9+s21+$0x0] =	vst.idx.msk $0xffff, v10  }
0x15f: {  	v9 =	vld.idx.msk [tilespmem:v7+s14+$0x0], $0xffff  }
0x160: {  	v10 =	vld.idx.msk [tilespmem:v8+s12+$0x0], $0xffff  }
0x161: {  	v61 =	vld.idx.msk [tilespmem:v7+s12+$0x0], $0xffff  }
0x162: {  	v62 =	vld.idx.msk [tilespmem:v8+s14+$0x0], $0xffff;
	_ =	sdelay $0x3  }
0x163: {  	v9 =	vmul.f32 v9, v3;
	v10 =	vmul.f32 v10, v4  }
0x164: {  	v3 =	vmul.f32 v61, v3;
	v63 =	vmul.f32 v62, v4;
	_ =	sdelay $0x1  }
0x165: {  	v3 =	vadd.f32 v3, v10;
	v4 =	vadd.f32 v9, v63  }
0x166: {  	v6 =	vadd.s32 $0x2, v6  }
0x167: {  	v3 =	vmul.f32 v3, v5;
	v2 =	vmul.f32 v4, v2  }
0x168: {  	s0 =	smul.u32 $0x3, s23  }
0x169: {  	s22 =	sadd.s32 $0x1, s22;
	v2 =	vadd.f32 v2, v3  }
0x16a: {  	s1 =	rddreg [dreg:$0x1];
	p0 =	sne.s32 s22, $0x20;
	s0 =	sshrl.u32 s0, $0x3  }
.Ltmp2:
0x16b: {  	s31 =	simm.s32 $0x0;
	s0 =	sadd.s32 s1, s0;
	[tilespmem:v6+s21+$0x0] =	vst.idx.msk $0xffff, v2;
	(pc) =	sbr.rel @p0 .LBB2_2-.Ltmp2, $4  }
0x16c: {  	[hbm4b:s0+s31] =	stream.linear.scatter [tilespmem:s21], [sflag:$0x2], $0xC00, $0x38;
	[tilespmem:$0x6400] =	vst v63  }
0x16d: {  	_ =	swait.ge [sflag:s9], $0xC00  }
0x16e: {  	[sflag:s9] =	ssyncset.done $0x0  }
0x16f: {  	[sflag:s9] =	ssyncadd.s32 $0xFFFFF400  }
0x170: {  	s1 =	rddreg [dreg:$0x4]  }
0x171: {  	s0 =	rddreg [dreg:$0x3];
	s1 =	sadd.s32 $0x1, s1  }
0x172: {  	p0 =	sne.s32 s1, s0  }
.Ltmp3:
0x173: {  	_ = 	snop;
	(pc) =	sbr.rel @p0 .LBB2_1-.Ltmp3, $1  }
0x174: {  	_ =	sdelay $0x3  }
0x175: {  	_ =	sfence.sel $0x180000  }
0x176: {  	[bflag:$0x0] =	sbarrier.arrive $0xFFFF  }
0x177: {  	_ =	strace $0x9000004D  }
0x178: {  	s0 =	stileid.u32;
	[bflag:$0x2] =	sbarrier.arrive $0xFFFF  }
0x179: {  	p0 =	sne.s32 s0, $0x0;
	s0 =	rddreg [dreg:$0x2]  }
0x17a: {  	s0 =	sadd.s32 @!p0 $0x100000, s0  }
0x17b: {  	[sflag:s0] =	ssyncadd.tile.s32 @!p0 $0x1;
	_ =	shalt  }
.Lfunc_end2:
_tile_overlayer_lowered:
.L_overlay_start_2:
0x17c: {  	(tag) =	ssettag $0x2  }
0x17d: {  	s0 =	rddreg [dreg:$0x0];
	s2 =	stileid.u32  }
0x17e: {  	s1 =	rddreg [dreg:$0x1];
	p0 =	sne.s32 s2, $0x0  }
0x17f: {  	s3 =	rddreg [dreg:$0x2];
	[bflag:$0x3] =	sbarrier.arrive $0xFFFF;
	s2 =	simm.s32 @!p0 $0x1C02  }
0x180: {  	[timem:s3], [sflag:s2] =	dma.local @!p0 [hbm:s0], s1  }
0x181: {  	s0 =	simm.s32 @!p0 $0x2  }
0x182: {  	_ =	swait.ge @!p0 [sflag:s0], s1  }
0x183: {  	s1 =	ssub.s32 @!p0 $0x0, s1;
	[sflag:s0] =	ssyncset.done @!p0 $0x0  }
0x184: {  	[sflag:s0] =	ssyncadd.s32 @!p0 s1  }
0x185: {  	[bflag:$0x3] =	sbarrier.arrive $0xFFFF  }
0x186: {  	_ =	shalt  }

// kernel: sparse-core-data-format-call.1.cloned.1.call-start
scs
called_computation.1_lowered:
.L_overlay_start_0:
0x0: {  	s2 =	sld [smem:$0x3FD9]  }
0x1: {  	s3 =	sld [smem:$0x3FFE];
	_ =	sdelay $0x1  }
0x2: {  	s1 =	srdreg.scid  }
0x3: {  	s0 =	sand.u32 $0x1, s1  }
0x4: {  	s18 =	sshll.u32 s0, $0xA;
	s2 =	sadd.s32 s3, s2  }
0x5: {  	s2 =	sadd.s32 s2, s18  }
0x6: {  	[smem:$0x3FC6] =	sst s2  }
0x7: {  	_ = 	snop  }
0x8: {  	s2 =	sld [smem:$0x3FC8];
	(tm) =	ssettm $0x1  }
0x9: {  	s19 =	sld [smem:$0x3FFB];
	_ =	sdelay $0x3  }
0xa: {  	_ =	strace s19  }
0xb: {  	s3 =	sld [smem:$0x3FFC];
	_ =	sdelay $0x3  }
0xc: {  	_ =	strace s3  }
0xd: {  	s3 =	sld [smem:$0x3FFD];
	_ =	sdelay $0x3  }
0xe: {  	_ =	strace s3  }
0xf: {  	_ =	strace $0x8FFFFFFF  }
0x10: {  	s20 =	sld [smem:$0x3FDB];
	_ =	sdelay $0x1  }
0x11: {  	s4 =	simm.s32 $_scs_section_size  }
0x12: {  	s5 =	simm.s32 $_size__tile_overlayer_lowered;
	s6 =	simm.s32 $_tile_overlayer_lowered  }
0x13: {  	s23 =	simm.s32 $0x1BFF;
	s22 =	sshll.u32 s6, $0x1;
	s3 =	sadd.s32 s4, s20  }
0x14: {  	s7 =	simm.s32 $0x0;
	s21 =	sshll.u32 s5, $0x1;
	s5 =	sadd.s32 s22, s3  }
0x15: {  	[timem:s7], [sflag:s23] =	dma.local [hbm:s5], s21  }
0x16: {  	_ =	swait.ge [sflag:s23], s21  }
0x17: {  	s4 =	ssub.s32 $0x0, s21;
	[sflag:s23] =	ssyncset.done $0x0  }
0x18: {  	[sflag:s23] =	ssyncadd.s32 s4;
	_ =	sdelay $0x1  }
0x19: {  	s24 =	simm.s32 $0x1B8B  }
0x1a: {  	_ =	swait.ge [sflag:s24], $0x1  }
0x1b: {  	[sflag:s24] =	ssyncset.done $0x0  }
0x1c: {  	s26 =	simm.s32 $0x1B8E;
	s25 =	sld [smem:$0x3FFE];
	[sflag:s24] =	ssyncadd.s32 $0xFFFFFFFF  }
0x1d: {  	s27 =	simm.s32 $execute0_lowered;
	[smem:$0x3FD2] =	sst s26  }
0x1e: {  	s5 =	sshll.u32 s27, $0x1;
	_ =	strace $0x80000046;
	[dreg:$0x1] =	wrdreg $0xFFFFFFFF  }
0x1f: {  	s28 =	simm.s32 $_size_execute0_lowered;
	s3 =	sadd.s32 s3, s5;
	[dreg:$0x0] =	wrdreg $0x0  }
0x20: {  	s5 =	sshll.u32 s28, $0x1;
	[dreg:$0x2] =	wrdreg s3  }
0x21: {  	[dreg:$0x3] =	wrdreg s5  }
0x22: {  	[dreg:$0x4] =	wrdreg $0xC0  }
0x23: {  	_ =	task [dreg:s7], $0x5FFFF  }
0x24: {  	[dreg:$0x1] =	wrdreg $0xFFFFFFFF  }
0x25: {  	[dreg:$0x0] =	wrdreg $0x60  }
0x26: {  	[dreg:$0x2] =	wrdreg s2  }
0x27: {  	[dreg:$0x3] =	wrdreg s25  }
0x28: {  	[dreg:$0x4] =	wrdreg $0x9  }
0x29: {  	_ =	task.clear_ibuf [dreg:s7], $0x5FFFF;
	_ =	strace $0x90000046  }
0x2a: {  	s29 =	simm.s32 $0x9;
	_ =	strace $0x80000048  }
0x2b: {  	_ =	swait.ge [sflag:s29], $0x1  }
0x2c: {  	[sflag:s29] =	ssyncadd.s32 $0xFFFFFFFF  }
0x2d: {  	_ =	strace $0x90000048  }
0x2e: {  	_ =	sfence  }
0x2f: {  	s30 =	sld [smem:$0x0];
	_ =	sdelay $0x2  }
0x30: {  	s31 =	sshll.u32 s1, $0xD;
	s1 =	sshrl.u32 s1, $0x2  }
0x31: {  	s3 =	sand.u32 $0x4000, s31;
	s1 =	sadd.s32 s1, s30  }
0x32: {  	s0 =	sor.u32 s3, s0;
	s1 =	sshll.u32 s1, $0x11  }
0x33: {  	s0 =	sor.u32 s1, s0  }
0x34: {  	s0 =	sadd.s32 $0x8F2B, s0  }
0x35: {  	[sflag:s0] =	ssyncadd.remote.s32 $0x1  }
0x36: {  	_ =	sfence.sel $0xFFFF  }
0x37: {  	[dreg:$0x0] =	wrdreg $0xFFFFFFFF;
	(pc) =	sbr.abs _section_cstart, $3  }
0x38: {  	[dreg:$0x1] =	wrdreg $0xFFFFFFFF  }
0x39: {  	_ =	task.clear_ibuf [dreg:s7], $0x2FFFF;
	_ =	strace $0x9FFFFFFF  }
0x3a: {  	(tm) =	ssettm $0x7FFFFFFF  }
0x3b: {  	_ =	shalt  }
tec
execute0_lowered:
.L_overlay_start_1:
0x0: {  	(tag) =	ssettag $0x1  }
0x1: {  	s0 =	stileid.u32  }
0x2: {  	s2 =	srdreg.scid;
	s31 =	rddreg [dreg:$0x1]  }
0x3: {  	s8 =	simm.s32 $0x2;
	s1 =	sshll.u32 s0, $0x7;
	s2 =	sshll.u32 s2, $0x7  }
0x4: {  	s15 =	simm.s32 $0x0;
	s2 =	sand.u32 $0x80, s2;
	s3 =	ssub.s32 $0x800, s1  }
0x5: {  	s5 =	sshrl.u32 s3, $0xB;
	s3 =	sand.u32 $0x780, s3;
	s4 =	ssub.s32 $0x800, s2  }
0x6: {  	p0 =	sne.s32 s3, $0x0;
	s3 =	simm.s32 $0x1;
	s6 =	sshrl.u32 s4, $0x7  }
0x7: {  	s7 =	sshrl.u32 s4, $0x8;
	s3 =	simm.s32 @!p0 $0x0;
	s6 =	sand.u32 $0x1, s6  }
0x8: {  	s9 =	simm.s32 $0x2000;
	s3 =	sadd.s32 s3, s5;
	s30 =	sadd.s32 s7, s6  }
0x9: {  	s10 =	simm.s32 $0x0;
	s16 =	simm.s32 $0x0;
	s6 =	smul.u32 s30, s3  }
.Ltmp0:
0xa: {  	s17 =	simm.s32 $0x0;
	s13 =	simm.s32 $0x0;
	(pc) =	sbr.rel .LBB1_1-.Ltmp0, $4  }
0xb: {  	s14 =	simm.s32 $0x0;
	s4 =	rddreg [dreg:$0x0];
	s5 =	simm.s32 $0x1  }
0xc: {  	s3 =	rddreg [dreg:$0x2];
	_ =	strace $0x80000047;
	s6 =	smul.u32 $0x3, s6  }
0xd: {  	s12 =	smov.u32 s1;
	s11 =	smov.u32 s2;
	[sflag:s5] =	ssyncpa.u1 $0x0  }
0xe: {  	s7 =	sadd.s32 $0xE00, s31;
	[sflag:s8] =	ssyncpa.u1 $0x0;
	s8 =	sadd.s32 $0x1, s6  }
.LBB1_4:
0xf: {  	_ =	sdelay $0x3  }
0x10: {  	[tilespmem:v0+s20+$0xFFFFFFA0 ss:$0x1] =	vst.idx.msk $0xffff, v6  }
0x11: {  	v56 =	vld.idx.msk [tilespmem:v1+s19+$0x30 ss:$0x1], $0xffff;
	[tilespmem:v0+s20+$0xFFFFFFB0 ss:$0x1] =	vst.idx.msk $0xffff, v4  }
0x12: {  	v57 =	vld.idx.msk [tilespmem:v1+s19+$0xFFFFFFC0 ss:$0x1], $0xffff;
	[tilespmem:v0+s20+$0xFFFFFFC0 ss:$0x1] =	vst.idx.msk $0xffff, v2  }
0x13: {  	v58 =	vld.idx.msk [tilespmem:v1+s19+$0xFFFFFFD0 ss:$0x1], $0xffff;
	[tilespmem:v0+s20+$0xFFFFFFD0 ss:$0x1] =	vst.idx.msk $0xffff, v3  }
0x14: {  	v59 =	vld.idx.msk [tilespmem:v1+s19+$0xFFFFFFE0 ss:$0x1], $0xffff;
	[tilespmem:v0+s20+$0xFFFFFFE0 ss:$0x1] =	vst.idx.msk $0xffff, v5  }
0x15: {  	v60 =	vld.idx.msk [tilespmem:v1+s19+$0xFFFFFFF0 ss:$0x1], $0xffff;
	[tilespmem:v0+s20+$0xFFFFFFF0 ss:$0x1] =	vst.idx.msk $0xffff, v7  }
0x16: {  	v61 =	vld.idx.msk [tilespmem:v1+s19+$0x0 ss:$0x1], $0xffff;
	[tilespmem:v0+s19+$0x0 ss:$0x1] =	vst.idx.msk $0xffff, v56  }
0x17: {  	v62 =	vld.idx.msk [tilespmem:v1+s19+$0x10 ss:$0x1], $0xffff;
	[tilespmem:v0+s19+$0xFFFFFF90 ss:$0x1] =	vst.idx.msk $0xffff, v57  }
0x18: {  	s17 =	sshll.u32 s17, $0x7;
	v63 =	vld.idx.msk [tilespmem:v1+s19+$0x20 ss:$0x1], $0xffff;
	s28 =	sand.u32 $0x78, s15;
	s21 =	sshll.u32 s15, $0x2;
	[tilespmem:v0+s19+$0xFFFFFFA0 ss:$0x1] =	vst.idx.msk $0xffff, v58  }
0x19: {  	s16 =	sshll.u32 s16, $0xA;
	s30 =	sshrl.u32 s15, $0x1;
	s17 =	sand.u32 $0x180, s17;
	[tilespmem:v0+s19+$0xFFFFFFB0 ss:$0x1] =	vst.idx.msk $0xffff, v59  }
0x1a: {  	s31 =	sand.u32 $0x7, s15;
	s29 =	sand.u32 $0x600, s21;
	s17 =	sor.u32 s17, s28;
	[tilespmem:v0+s19+$0xFFFFFFC0 ss:$0x1] =	vst.idx.msk $0xffff, v60  }
0x1b: {  	s20 =	sand.u32 $0x300, s30;
	s16 =	sadd.s32 s7, s16;
	s17 =	sor.u32 s29, s17;
	[tilespmem:v0+s19+$0xFFFFFFD0 ss:$0x1] =	vst.idx.msk $0xffff, v61  }
0x1c: {  	s15 =	sshll.u32 s31, $0x12;
	s16 =	sadd.s32 s20, s16;
	s17 =	sshrl.u32 s17, $0x3;
	[tilespmem:v0+s19+$0xFFFFFFE0 ss:$0x1] =	vst.idx.msk $0xffff, v62  }
0x1d: {  	s15 =	sor.u32 $0x80, s15;
	[tilespmem:v0+s19+$0xFFFFFFF0 ss:$0x1] =	vst.idx.msk $0xffff, v63;
	s16 =	sadd.s32 s17, s16  }
0x1e: {  	[hbm4b:s16+s15] =	stream.strided.scatter [tilespmem:s18], [sflag:$0x2], $0x4000, s9, s15, $0x38;
	[tilespmem:$0x10000] =	vst v63  }
.LBB1_5:
0x1f: {  	s18 =	sadd.s32 $0x100, s11  }
0x20: {  	s15 =	sadd.s32 $0x800, s12;
	s19 =	smov.u32 s12;
	p1 =	sgt.s32 s18, $0x7FF  }
0x21: {  	s19 =	smov.u32 @p1 s15  }
0x22: {  	s15 =	simm.s32 $0x1;
	p2 =	sgt.s32 s19, $0x7FF  }
0x23: {  	s15 =	simm.s32 @!p2 $0x0  }
0x24: {  	s21 =	sadd.s32 s15, s13  }
0x25: {  	s18 =	smov.u32 @p1 s2;
	p1 =	sgt.s32 s21, $0x2  }
0x26: {  	p0 =	slt.u32 s14, $0x2;
	s21 =	simm.s32 @p1 $0x0;
	p1 =	sne.s32 s14, s8  }
.Ltmp1:
0x27: {  	s20 =	simm.s32 @!p0 $0x2;
	(pc) =	sbr.rel @!p1 .LBB1_6-.Ltmp1, $4  }
0x28: {  	s16 =	smov.u32 s12;
	s17 =	smov.u32 s13;
	_ =	swait.ge @!p0 [sflag:s20], $0x4000  }
0x29: {  	s10 =	sadd.s32 $0x4000, s10;
	[sflag:s20] =	ssyncset.done @!p0 $0x0;
	s19 =	smov.u32 @p2 s1  }
0x2a: {  	[sflag:s20] =	ssyncadd.s32 @!p0 $0xFFFFC000;
	s15 =	smov.u32 s11;
	s11 =	smov.u32 s18  }
0x2b: {  	s12 =	smov.u32 s19;
	s14 =	sadd.s32 $0x1, s14;
	s13 =	smov.u32 s21  }
.LBB1_1:
0x2c: {  	p0 =	sge.u32 s14, s6;
	s31 =	sadd.s32 $0xFFFFFFFF, s14  }
0x2d: {  	s18 =	sxor.u32 @!p0 $0xFFFFFFFF, s14;
	s19 =	sand.u32 @!p0 $0x78, s11;
	s20 =	sshll.u32 @!p0 s12, $0xB  }
0x2e: {  	s21 =	sshll.u32 @!p0 s12, $0x7;
	s22 =	sshll.u32 @!p0 s11, $0x3;
	s18 =	sshll.u32 @!p0 s18, $0xE  }
0x2f: {  	s20 =	sand.u32 @!p0 $0x3FC000, s20;
	s21 =	sand.u32 @!p0 $0x380, s21;
	s18 =	sand.u32 @!p0 $0x4000, s18  }
0x30: {  	s20 =	sadd.s32 @!p0 s20, s22;
	s22 =	sand.u32 @!p0 $0x400, s22;
	s19 =	sor.u32 @!p0 s21, s19  }
0x31: {  	s21 =	sshll.u32 @!p0 s13, $0x13;
	s19 =	sor.u32 @!p0 s22, s19;
	s20 =	sshrl.u32 @!p0 s20, $0x3  }
0x32: {  	s21 =	sadd.s32 @!p0 s4, s21;
	s22 =	sand.u32 @!p0 $0x7, s11;
	s20 =	sand.u32 @!p0 $0x7FF00, s20  }
0x33: {  	s19 =	sshrl.u32 @!p0 s19, $0x3;
	s20 =	sadd.s32 @!p0 s20, s21;
	s21 =	sshll.u32 @!p0 s22, $0x12  }
0x34: {  	s19 =	sadd.s32 @!p0 s19, s20;
	s20 =	sor.u32 @!p0 $0x400, s21;
	s21 =	simm.s32 @!p0 $0x4000  }
0x35: {  	[tilespmem:s18], [sflag:$0x1] =	stream.strided.gather @!p0 [hbm4b:s19+s20], $0x4000, s21, s20, $0x38;
	[tilespmem:$0x10000] =	vst v63  }
0x36: {  	p0 =	sge.u32 s31, s6  }
.Ltmp2:
0x37: {  	_ = 	snop;
	(pc) =	sbr.rel @p0 .LBB1_5-.Ltmp2, $1  }
0x38: {  	_ =	sdelay $0x3  }
0x39: {  	s18 =	sand.u32 $0x4000, s10  }
0x3a: {  	s19 =	sor.u32 $0x40, s18  }
0x3b: {  	v1 =	vmov s19;
	_ =	sdelay $0x1  }
0x3c: {  	_ =	swait.ge [sflag:s5], $0x4000  }
0x3d: {  	[sflag:s5] =	ssyncset.done $0x0  }
0x3e: {  	s20 =	simm.s32 $0x0;
	[sflag:s5] =	ssyncadd.s32 $0xFFFFC000  }
0x3f: {  	s18 =	sor.u32 $0x8070, s18;
	v7 =	vld.idx.msk [tilespmem:v1+s20+$0x30 ss:$0x1], $0xffff  }
0x40: {  	v0 =	vmov s18;
	v8 =	vld.idx.msk [tilespmem:v1+s20+$0xFFFFFFC0 ss:$0x1], $0xffff  }
0x41: {  	v6 =	vld.idx.msk [tilespmem:v1+s20+$0xFFFFFFD0 ss:$0x1], $0xffff  }
0x42: {  	v4 =	vld.idx.msk [tilespmem:v1+s20+$0xFFFFFFE0 ss:$0x1], $0xffff  }
0x43: {  	v2 =	vld.idx.msk [tilespmem:v1+s20+$0xFFFFFFF0 ss:$0x1], $0xffff  }
0x44: {  	s31 =	sshll.u32 s14, $0xE;
	v3 =	vld.idx.msk [tilespmem:v1+s20+$0x0 ss:$0x1], $0xffff  }
0x45: {  	s18 =	sand.u32 $0x4000, s31;
	v5 =	vld.idx.msk [tilespmem:v1+s20+$0x10 ss:$0x1], $0xffff;
	[tilespmem:v0+s20+$0x0 ss:$0x1] =	vst.idx.msk $0xffff, v7  }
0x46: {  	s21 =	simm.s32 $0x400;
	s19 =	simm.s32 $0x80;
	s18 =	sor.u32 $0x8000, s18;
	[tilespmem:v0+s20+$0xFFFFFF90 ss:$0x1] =	vst.idx.msk $0xffff, v8;
	v7 =	vld.idx.msk [tilespmem:v1+s20+$0x20 ss:$0x1], $0xffff  }
.LBB1_3:
0x47: {  	p0 =	sne.s32 s21, $0xFE00;
	v8 =	vld.idx.msk [tilespmem:v1+s19+$0x30 ss:$0x1], $0xffff;
	[tilespmem:v0+s20+$0xFFFFFFA0 ss:$0x1] =	vst.idx.msk $0xffff, v6  }
0x48: {  	v9 =	vld.idx.msk [tilespmem:v1+s19+$0xFFFFFFC0 ss:$0x1], $0xffff;
	[tilespmem:v0+s20+$0xFFFFFFB0 ss:$0x1] =	vst.idx.msk $0xffff, v4  }
0x49: {  	v6 =	vld.idx.msk [tilespmem:v1+s19+$0xFFFFFFD0 ss:$0x1], $0xffff;
	[tilespmem:v0+s20+$0xFFFFFFC0 ss:$0x1] =	vst.idx.msk $0xffff, v2  }
.Ltmp3:
0x4a: {  	v4 =	vld.idx.msk [tilespmem:v1+s19+$0xFFFFFFE0 ss:$0x1], $0xffff;
	[tilespmem:v0+s20+$0xFFFFFFD0 ss:$0x1] =	vst.idx.msk $0xffff, v3;
	(pc) =	sbr.rel @p0 .LBB1_3-.Ltmp3, $4  }
0x4b: {  	v2 =	vld.idx.msk [tilespmem:v1+s19+$0xFFFFFFF0 ss:$0x1], $0xffff;
	[tilespmem:v0+s20+$0xFFFFFFE0 ss:$0x1] =	vst.idx.msk $0xffff, v5  }
0x4c: {  	v3 =	vld.idx.msk [tilespmem:v1+s19+$0x0 ss:$0x1], $0xffff;
	[tilespmem:v0+s20+$0xFFFFFFF0 ss:$0x1] =	vst.idx.msk $0xffff, v7;
	s20 =	smov.u32 s19  }
0x4d: {  	v5 =	vld.idx.msk [tilespmem:v1+s20+$0x10 ss:$0x1], $0xffff;
	[tilespmem:v0+s20+$0x0 ss:$0x1] =	vst.idx.msk $0xffff, v8  }
0x4e: {  	s19 =	sshra.s32 s21, $0x2;
	s21 =	sadd.s32 $0x200, s21;
	[tilespmem:v0+s20+$0xFFFFFF90 ss:$0x1] =	vst.idx.msk $0xffff, v9;
	v7 =	vld.idx.msk [tilespmem:v1+s20+$0x20 ss:$0x1], $0xffff  }
.Ltmp4:
0x4f: {  	_ = 	snop;
	(pc) =	sbr.rel .LBB1_4-.Ltmp4, $1  }
0x50: {  	_ =	sdelay $0x3  }
.LBB1_6:
0x51: {  	_ =	sfence.sel $0x180000  }
0x52: {  	s1 =	simm.s32 $0x1;
	[bflag:$0x0] =	sbarrier.arrive $0xFFFF  }
0x53: {  	s31 =	simm.s32 $0x2;
	[sflag:s1] =	ssyncpa.u1 $0x1  }
0x54: {  	[sflag:s31] =	ssyncpa.u1 $0x1  }
0x55: {  	p0 =	sne.s32 s0, $0x0;
	_ =	strace $0x90000047  }
0x56: {  	s0 =	sadd.s32 @!p0 $0x100000, s3;
	[bflag:$0x2] =	sbarrier.arrive $0xFFFF  }
0x57: {  	[sflag:s0] =	ssyncadd.tile.s32 @!p0 $0x1;
	_ =	shalt  }
.Lfunc_end1:
_tile_overlayer_lowered:
.L_overlay_start_2:
0x58: {  	(tag) =	ssettag $0x2  }
0x59: {  	s0 =	rddreg [dreg:$0x0];
	s2 =	stileid.u32  }
0x5a: {  	s1 =	rddreg [dreg:$0x1];
	p0 =	sne.s32 s2, $0x0  }
0x5b: {  	s3 =	rddreg [dreg:$0x2];
	[bflag:$0x3] =	sbarrier.arrive $0xFFFF;
	s2 =	simm.s32 @!p0 $0x1C01  }
0x5c: {  	[timem:s3], [sflag:s2] =	dma.local @!p0 [hbm:s0], s1  }
0x5d: {  	s0 =	simm.s32 @!p0 $0x1  }
0x5e: {  	_ =	swait.ge @!p0 [sflag:s0], s1  }
0x5f: {  	s1 =	ssub.s32 @!p0 $0x0, s1;
	[sflag:s0] =	ssyncset.done @!p0 $0x0  }
0x60: {  	[sflag:s0] =	ssyncadd.s32 @!p0 s1  }
0x61: {  	[bflag:$0x3] =	sbarrier.arrive $0xFFFF  }
0x62: {  	_ =	shalt  }

// kernel: sparse-core-data-format-call.cloned.1.call-start
scs
called_computation_lowered:
.L_overlay_start_0:
0x0: {  	s1 =	sld [smem:$0x3FD9]  }
0x1: {  	s2 =	sld [smem:$0x3FFE];
	_ =	sdelay $0x1  }
0x2: {  	s3 =	srdreg.scid  }
0x3: {  	s0 =	sand.u32 $0x1, s3  }
0x4: {  	s17 =	sshll.u32 s0, $0xA;
	s1 =	sadd.s32 s2, s1  }
0x5: {  	s1 =	sadd.s32 s1, s17  }
0x6: {  	[smem:$0x3FC6] =	sst s1  }
0x7: {  	_ = 	snop  }
0x8: {  	(tm) =	ssettm $0x1  }
0x9: {  	s18 =	sld [smem:$0x3FFB];
	_ =	sdelay $0x3  }
0xa: {  	_ =	strace s18  }
0xb: {  	s1 =	sld [smem:$0x3FFC];
	_ =	sdelay $0x3  }
0xc: {  	_ =	strace s1  }
0xd: {  	s1 =	sld [smem:$0x3FFD];
	_ =	sdelay $0x3  }
0xe: {  	_ =	strace s1  }
0xf: {  	_ =	strace $0x8FFFFFFF  }
0x10: {  	s19 =	sld [smem:$0x3FDB];
	_ =	sdelay $0x1  }
0x11: {  	s20 =	simm.s32 $_scs_section_size  }
0x12: {  	s4 =	simm.s32 $_size__tile_overlayer_lowered;
	s5 =	simm.s32 $_tile_overlayer_lowered  }
0x13: {  	s23 =	simm.s32 $0x1BFF;
	s22 =	sshll.u32 s5, $0x1;
	s1 =	sadd.s32 s20, s19  }
0x14: {  	s6 =	simm.s32 $0x0;
	s21 =	sshll.u32 s4, $0x1;
	s4 =	sadd.s32 s22, s1  }
0x15: {  	[timem:s6], [sflag:s23] =	dma.local [hbm:s4], s21  }
0x16: {  	_ =	swait.ge [sflag:s23], s21  }
0x17: {  	s2 =	ssub.s32 $0x0, s21;
	[sflag:s23] =	ssyncset.done $0x0  }
0x18: {  	[sflag:s23] =	ssyncadd.s32 s2;
	_ =	sdelay $0x1  }
0x19: {  	s24 =	simm.s32 $0x1B8B  }
0x1a: {  	_ =	swait.ge [sflag:s24], $0x1  }
0x1b: {  	[sflag:s24] =	ssyncset.done $0x0  }
0x1c: {  	s26 =	simm.s32 $0x1B8E;
	s25 =	sld [smem:$0x3FFE];
	[sflag:s24] =	ssyncadd.s32 $0xFFFFFFFF  }
0x1d: {  	s27 =	simm.s32 $execute0_lowered;
	[smem:$0x3FD2] =	sst s26  }
0x1e: {  	s4 =	sshll.u32 s27, $0x1;
	_ =	strace $0x80000049;
	[dreg:$0x1] =	wrdreg $0xFFFFFFFF  }
0x1f: {  	s28 =	simm.s32 $_size_execute0_lowered;
	s1 =	sadd.s32 s1, s4;
	[dreg:$0x0] =	wrdreg $0x0  }
0x20: {  	s4 =	sshll.u32 s28, $0x1;
	[dreg:$0x2] =	wrdreg s1  }
0x21: {  	[dreg:$0x3] =	wrdreg s4  }
0x22: {  	[dreg:$0x4] =	wrdreg $0xC0  }
0x23: {  	_ =	task [dreg:s6], $0x5FFFF  }
0x24: {  	[dreg:$0x1] =	wrdreg $0xFFFFFFFF  }
0x25: {  	[dreg:$0x0] =	wrdreg $0x60  }
0x26: {  	[dreg:$0x2] =	wrdreg s25  }
0x27: {  	[dreg:$0x3] =	wrdreg $0x9  }
0x28: {  	_ =	task.clear_ibuf [dreg:s6], $0x4FFFF;
	_ =	strace $0x90000049  }
0x29: {  	s29 =	simm.s32 $0x9;
	_ =	strace $0x8000004B  }
0x2a: {  	_ =	swait.ge [sflag:s29], $0x1  }
0x2b: {  	[sflag:s29] =	ssyncadd.s32 $0xFFFFFFFF  }
0x2c: {  	_ =	strace $0x9000004B  }
0x2d: {  	_ =	sfence  }
0x2e: {  	s30 =	sld [smem:$0x0];
	_ =	sdelay $0x2  }
0x2f: {  	s31 =	sshll.u32 s3, $0xD;
	s3 =	sshrl.u32 s3, $0x2  }
0x30: {  	s2 =	sand.u32 $0x4000, s31;
	s1 =	sadd.s32 s3, s30  }
0x31: {  	s0 =	sor.u32 s2, s0;
	s1 =	sshll.u32 s1, $0x11  }
0x32: {  	s0 =	sor.u32 s1, s0  }
0x33: {  	s0 =	sadd.s32 $0x8F2B, s0  }
0x34: {  	[sflag:s0] =	ssyncadd.remote.s32 $0x1  }
0x35: {  	_ =	sfence.sel $0xFFFF  }
0x36: {  	[dreg:$0x0] =	wrdreg $0xFFFFFFFF;
	(pc) =	sbr.abs _section_cstart, $3  }
0x37: {  	[dreg:$0x1] =	wrdreg $0xFFFFFFFF  }
0x38: {  	_ =	task.clear_ibuf [dreg:s6], $0x2FFFF;
	_ =	strace $0x9FFFFFFF  }
0x39: {  	(tm) =	ssettm $0x7FFFFFFF  }
tec
execute0_lowered:
.L_overlay_start_1:
0x0: {  	(tag) =	ssettag $0x1  }
0x1: {  	s0 =	srdreg.scid  }
0x2: {  	s6 =	rddreg [dreg:$0x0];
	s7 =	simm.s32 $0x1;
	s1 =	sshll.u32 s0, $0x4  }
0x3: {  	s8 =	simm.s32 $0x2;
	s0 =	stileid.u32;
	s1 =	sand.u32 $0x10, s1  }
0x4: {  	s13 =	simm.s32 $0x0;
	s12 =	simm.s32 $0x0;
	s1 =	sor.u32 s0, s1  }
0x5: {  	s10 =	simm.s32 $0x0;
	s3 =	sadd.s32 $0x400E00, s6;
	s2 =	sshll.u32 s1, $0xB  }
0x6: {  	s11 =	simm.s32 $0x0;
	s6 =	sadd.s32 $0x800E00, s6;
	s5 =	ssub.s32 $0x400000, s2  }
.Ltmp0:
0x7: {  	s1 =	rddreg [dreg:$0x1];
	s4 =	sand.u32 $0xF800, s5;
	(pc) =	sbr.rel .LBB1_1-.Ltmp0, $4  }
0x8: {  	_ =	strace $0x8000004A;
	s9 =	smov.u32 s2;
	p0 =	sne.s32 s4, $0x0  }
0x9: {  	s5 =	sshrl.u32 s5, $0x10;
	s4 =	simm.s32 $0x1;
	s7 =	simm.s32 @!p0 $0x0  }
0xa: {  	[sflag:s4] =	ssyncpa.u1 $0x0;
	p0 =	por $0x0, $0x0;
	s5 =	sadd.s32 s7, s5  }
0xb: {  	[sflag:s8] =	ssyncpa.u1 $0x0;
	s8 =	simm.s32 $0x80;
	s7 =	sadd.s32 $0x1, s5  }
.LBB1_7:
0xc: {  	s14 =	sadd.s32 $0x10000, s9  }
0xd: {  	s12 =	sadd.s32 $0x8, s10;
	s16 =	smov.u32 s10;
	p2 =	sgt.s32 s14, $0x3FFFFF  }
0xe: {  	s16 =	smov.u32 @p2 s12  }
0xf: {  	s14 =	smov.u32 @p2 s2;
	p2 =	sgt.s32 s16, $0x7  }
0x10: {  	s16 =	simm.s32 @p2 $0x0;
	p2 =	sne.s32 s11, s7  }
.Ltmp1:
0x11: {  	p1 =	slt.u32 s11, $0x2;
	(pc) =	sbr.rel @!p2 .LBB1_8-.Ltmp1, $4  }
0x12: {  	s15 =	simm.s32 @!p1 $0x2  }
0x13: {  	s13 =	smov.u32 s9;
	p0 =	por !p0, !p0;
	_ =	swait.ge @!p1 [sflag:s15], $0x4000  }
0x14: {  	s12 =	smov.u32 s10;
	[sflag:s15] =	ssyncset.done @!p1 $0x0;
	s9 =	smov.u32 s14  }
0x15: {  	s11 =	sadd.s32 $0x1, s11;
	[sflag:s15] =	ssyncadd.s32 @!p1 $0xFFFFC000;
	s10 =	smov.u32 s16  }
.LBB1_1:
0x16: {  	p1 =	sge.u32 s11, s5  }
0x17: {  	s14 =	sshll.u32 @!p1 s10, $0x7  }
0x18: {  	s15 =	sand.u32 @!p1 $0x78, s9;
	s16 =	sshll.u32 @!p1 s9, $0x3;
	s14 =	sand.u32 @!p1 $0x380, s14  }
0x19: {  	s31 =	sadd.s32 $0xFFFFFFFF, s11;
	s16 =	sand.u32 @!p1 $0x3FFC00, s16;
	s14 =	sor.u32 @!p1 s14, s15  }
0x1a: {  	s15 =	sxor.u32 @!p1 $0xFFFFFFFF, s11;
	s14 =	sor.u32 @!p1 s16, s14;
	s16 =	sand.u32 @!p1 $0x380000, s9  }
0x1b: {  	s15 =	sshll.u32 @!p1 s15, $0xE;
	s14 =	sshrl.u32 @!p1 s14, $0x3;
	s16 =	sadd.s32 @!p1 s3, s16  }
0x1c: {  	s15 =	sand.u32 @!p1 $0x4000, s15;
	s14 =	sadd.s32 @!p1 s14, s16;
	s16 =	sand.u32 @!p1 $0x7, s9  }
0x1d: {  	[tilespmem:s15], [sflag:$0x1] =	stream.linear.gather @!p1 [hbm4b:s14+s16], $0x4000, $0x38;
	[tilespmem:$0x11000] =	vst v63  }
0x1e: {  	p1 =	sge.u32 s31, s5  }
.Ltmp2:
0x1f: {  	_ = 	snop;
	(pc) =	sbr.rel @p1 .LBB1_7-.Ltmp2, $1  }
0x20: {  	_ =	sdelay $0x3  }
0x21: {  	s14 =	simm.s32 $0x1;
	s16 =	sand.u32 $0x1, s11  }
0x22: {  	_ =	swait.ge [sflag:s4], $0x4000;
	s14 =	simm.s32 @!p0 $0x0;
	s17 =	smul.u32 $0x12000, s16  }
0x23: {  	[sflag:s4] =	ssyncset.done $0x0;
	s15 =	smul.u32 $0x12000, s14  }
0x24: {  	s14 =	sshll.u32 s14, $0xE;
	[sflag:s4] =	ssyncadd.s32 $0xFFFFC000  }
0x25: {  	s16 =	sor.u32 $0x800, s14;
	s31 =	sshrl.u32 s17, $0x2;
	s15 =	sshrl.u32 s15, $0x2  }
0x26: {  	s17 =	simm.s32 $0x0;
	s14 =	sor.u32 $0x8000, s31;
	s15 =	sadd.s32 $0x9170, s15  }
.LBB1_3:
0x27: {  	v0 =	vld [tilespmem:s16+$0x470]  }
0x28: {  	v1 =	vld [tilespmem:s16+$0xFFFFF810]  }
0x29: {  	v2 =	vld [tilespmem:s16+$0xFFFFF820]  }
0x2a: {  	v3 =	vld [tilespmem:s16+$0xFFFFF830]  }
0x2b: {  	v4 =	vld [tilespmem:s16+$0xFFFFF840]  }
0x2c: {  	v5 =	vld [tilespmem:s16+$0xFFFFF850];
	[tilespmem:s15+$0x0 ss:$0x9] =	vst.msk $0xffff, v0  }
0x2d: {  	[tilespmem:s15+$0xFFFFEF20 ss:$0x9] =	vst.msk $0xffff, v1;
	v0 =	vld [tilespmem:s16+$0xFFFFF860]  }
0x2e: {  	[tilespmem:s15+$0xFFFFEFB0 ss:$0x9] =	vst.msk $0xffff, v2;
	v1 =	vld [tilespmem:s16+$0xFFFFF870]  }
0x2f: {  	[tilespmem:s15+$0xFFFFF040 ss:$0x9] =	vst.msk $0xffff, v3;
	v2 =	vld [tilespmem:s16+$0xFFFFFC00]  }
0x30: {  	[tilespmem:s15+$0xFFFFF0D0 ss:$0x9] =	vst.msk $0xffff, v4;
	v3 =	vld [tilespmem:s16+$0xFFFFFC10]  }
0x31: {  	[tilespmem:s15+$0xFFFFF160 ss:$0x9] =	vst.msk $0xffff, v5;
	v4 =	vld [tilespmem:s16+$0xFFFFFC20]  }
0x32: {  	v5 =	vld [tilespmem:s16+$0x420];
	[tilespmem:s15+$0xFFFFF1F0 ss:$0x9] =	vst.msk $0xffff, v0  }
0x33: {  	v0 =	vld [tilespmem:s16+$0xFFFFFC30];
	[tilespmem:s15+$0xFFFFF280 ss:$0x9] =	vst.msk $0xffff, v1  }
0x34: {  	v1 =	vld [tilespmem:s16+$0xFFFFFC40];
	[tilespmem:s15+$0xFFFFF310 ss:$0x9] =	vst.msk $0xffff, v2  }
0x35: {  	[tilespmem:s15+$0xFFFFF3A0 ss:$0x9] =	vst.msk $0xffff, v3;
	v3 =	vld [tilespmem:s16+$0xFFFFFC60]  }
0x36: {  	[tilespmem:s15+$0xFFFFF430 ss:$0x9] =	vst.msk $0xffff, v4;
	v4 =	vld [tilespmem:s16+$0xFFFFFC70]  }
0x37: {  	v2 =	vld [tilespmem:s16+$0xFFFFFC50];
	[tilespmem:s15+$0xFFFFFD30 ss:$0x9] =	vst.msk $0xffff, v5  }
0x38: {  	[tilespmem:s15+$0xFFFFF4C0 ss:$0x9] =	vst.msk $0xffff, v0;
	v0 =	vld [tilespmem:s16+$0x0]  }
0x39: {  	[tilespmem:s15+$0xFFFFF550 ss:$0x9] =	vst.msk $0xffff, v1;
	v1 =	vld [tilespmem:s16+$0x10]  }
0x3a: {  	[tilespmem:s15+$0xFFFFF670 ss:$0x9] =	vst.msk $0xffff, v3;
	v3 =	vld [tilespmem:s16+$0x30]  }
0x3b: {  	[tilespmem:s15+$0xFFFFF700 ss:$0x9] =	vst.msk $0xffff, v4;
	v4 =	vld [tilespmem:s16+$0x40]  }
0x3c: {  	[tilespmem:s15+$0xFFFFF5E0 ss:$0x9] =	vst.msk $0xffff, v2;
	v2 =	vld [tilespmem:s16+$0x20]  }
0x3d: {  	[tilespmem:s15+$0xFFFFF790 ss:$0x9] =	vst.msk $0xffff, v0;
	v0 =	vld [tilespmem:s16+$0x50]  }
0x3e: {  	[tilespmem:s15+$0xFFFFF820 ss:$0x9] =	vst.msk $0xffff, v1;
	v1 =	vld [tilespmem:s16+$0x60]  }
0x3f: {  	[tilespmem:s15+$0xFFFFF940 ss:$0x9] =	vst.msk $0xffff, v3;
	v3 =	vld [tilespmem:s16+$0x400]  }
0x40: {  	[tilespmem:s15+$0xFFFFF9D0 ss:$0x9] =	vst.msk $0xffff, v4;
	v4 =	vld [tilespmem:s16+$0x410]  }
0x41: {  	[tilespmem:s15+$0xFFFFF8B0 ss:$0x9] =	vst.msk $0xffff, v2;
	v2 =	vld [tilespmem:s16+$0x70]  }
0x42: {  	[tilespmem:s15+$0xFFFFFA60 ss:$0x9] =	vst.msk $0xffff, v0;
	v0 =	vld [tilespmem:s16+$0x430]  }
0x43: {  	[tilespmem:s15+$0xFFFFFAF0 ss:$0x9] =	vst.msk $0xffff, v1;
	v1 =	vld [tilespmem:s16+$0x440]  }
0x44: {  	[tilespmem:s15+$0xFFFFFC10 ss:$0x9] =	vst.msk $0xffff, v3;
	v3 =	vld [tilespmem:s16+$0x450]  }
0x45: {  	[tilespmem:s15+$0xFFFFFCA0 ss:$0x9] =	vst.msk $0xffff, v4;
	v4 =	vld [tilespmem:s16+$0x460]  }
0x46: {  	s19 =	simm.s32 $0x0;
	s20 =	sadd.s32 $0x1000, s16;
	s18 =	smov.u32 s15;
	[tilespmem:s15+$0xFFFFFB80 ss:$0x9] =	vst.msk $0xffff, v2;
	v2 =	vld [tilespmem:s16+$0xFFFFF800]  }
.LBB1_4:
0x47: {  	v5 =	vld [tilespmem:s20+$0x470];
	s19 =	sadd.s32 $0x200, s19;
	[tilespmem:s18+$0xFFFFFDC0 ss:$0x9] =	vst.msk $0xffff, v0  }
0x48: {  	v0 =	vld [tilespmem:s20+$0xFFFFF810];
	p1 =	slt.u32 s19, $0x600;
	[tilespmem:s18+$0xFFFFFE50 ss:$0x9] =	vst.msk $0xffff, v1  }
0x49: {  	v1 =	vld [tilespmem:s20+$0xFFFFF820];
	[tilespmem:s18+$0xFFFFFEE0 ss:$0x9] =	vst.msk $0xffff, v3  }
0x4a: {  	v3 =	vld [tilespmem:s20+$0xFFFFF830];
	[tilespmem:s18+$0xFFFFFF70 ss:$0x9] =	vst.msk $0xffff, v4  }
0x4b: {  	v4 =	vld [tilespmem:s20+$0xFFFFF840];
	[tilespmem:s18+$0xFFFFEE90 ss:$0x9] =	vst.msk $0xffff, v2;
	s18 =	sadd.s32 $0x1200, s18  }
0x4c: {  	v2 =	vld [tilespmem:s20+$0xFFFFF850];
	[tilespmem:s18+$0x0 ss:$0x9] =	vst.msk $0xffff, v5  }
0x4d: {  	[tilespmem:s18+$0xFFFFEF20 ss:$0x9] =	vst.msk $0xffff, v0;
	v0 =	vld [tilespmem:s20+$0xFFFFF860]  }
0x4e: {  	[tilespmem:s18+$0xFFFFEFB0 ss:$0x9] =	vst.msk $0xffff, v1;
	v1 =	vld [tilespmem:s20+$0xFFFFF870]  }
0x4f: {  	[tilespmem:s18+$0xFFFFF040 ss:$0x9] =	vst.msk $0xffff, v3;
	v3 =	vld [tilespmem:s20+$0xFFFFFC00]  }
0x50: {  	[tilespmem:s18+$0xFFFFF0D0 ss:$0x9] =	vst.msk $0xffff, v4;
	v4 =	vld [tilespmem:s20+$0xFFFFFC10]  }
0x51: {  	[tilespmem:s18+$0xFFFFF160 ss:$0x9] =	vst.msk $0xffff, v2;
	v2 =	vld [tilespmem:s20+$0xFFFFFC20]  }
0x52: {  	[tilespmem:s18+$0xFFFFF1F0 ss:$0x9] =	vst.msk $0xffff, v0;
	v0 =	vld [tilespmem:s20+$0xFFFFFC30]  }
0x53: {  	[tilespmem:s18+$0xFFFFF280 ss:$0x9] =	vst.msk $0xffff, v1;
	v1 =	vld [tilespmem:s20+$0xFFFFFC40]  }
0x54: {  	[tilespmem:s18+$0xFFFFF310 ss:$0x9] =	vst.msk $0xffff, v3;
	v3 =	vld [tilespmem:s20+$0xFFFFFC50]  }
0x55: {  	[tilespmem:s18+$0xFFFFF3A0 ss:$0x9] =	vst.msk $0xffff, v4;
	v4 =	vld [tilespmem:s20+$0xFFFFFC60]  }
0x56: {  	[tilespmem:s18+$0xFFFFF430 ss:$0x9] =	vst.msk $0xffff, v2;
	v2 =	vld [tilespmem:s20+$0xFFFFFC70]  }
0x57: {  	[tilespmem:s18+$0xFFFFF4C0 ss:$0x9] =	vst.msk $0xffff, v0;
	v0 =	vld [tilespmem:s20+$0x0]  }
0x58: {  	[tilespmem:s18+$0xFFFFF550 ss:$0x9] =	vst.msk $0xffff, v1;
	v1 =	vld [tilespmem:s20+$0x10]  }
0x59: {  	[tilespmem:s18+$0xFFFFF5E0 ss:$0x9] =	vst.msk $0xffff, v3;
	v3 =	vld [tilespmem:s20+$0x20]  }
0x5a: {  	[tilespmem:s18+$0xFFFFF670 ss:$0x9] =	vst.msk $0xffff, v4;
	v4 =	vld [tilespmem:s20+$0x30]  }
0x5b: {  	[tilespmem:s18+$0xFFFFF700 ss:$0x9] =	vst.msk $0xffff, v2;
	v2 =	vld [tilespmem:s20+$0x40]  }
0x5c: {  	[tilespmem:s18+$0xFFFFF790 ss:$0x9] =	vst.msk $0xffff, v0;
	v0 =	vld [tilespmem:s20+$0x50]  }
0x5d: {  	[tilespmem:s18+$0xFFFFF820 ss:$0x9] =	vst.msk $0xffff, v1;
	v1 =	vld [tilespmem:s20+$0x60]  }
0x5e: {  	[tilespmem:s18+$0xFFFFF8B0 ss:$0x9] =	vst.msk $0xffff, v3;
	v3 =	vld [tilespmem:s20+$0x70]  }
0x5f: {  	[tilespmem:s18+$0xFFFFF940 ss:$0x9] =	vst.msk $0xffff, v4;
	v4 =	vld [tilespmem:s20+$0x400]  }
0x60: {  	[tilespmem:s18+$0xFFFFF9D0 ss:$0x9] =	vst.msk $0xffff, v2;
	v2 =	vld [tilespmem:s20+$0x410]  }
0x61: {  	[tilespmem:s18+$0xFFFFFA60 ss:$0x9] =	vst.msk $0xffff, v0;
	v5 =	vld [tilespmem:s20+$0x420]  }
.Ltmp3:
0x62: {  	[tilespmem:s18+$0xFFFFFAF0 ss:$0x9] =	vst.msk $0xffff, v1;
	v0 =	vld [tilespmem:s20+$0x430];
	(pc) =	sbr.rel @p1 .LBB1_4-.Ltmp3, $4  }
0x63: {  	[tilespmem:s18+$0xFFFFFB80 ss:$0x9] =	vst.msk $0xffff, v3;
	v1 =	vld [tilespmem:s20+$0x440]  }
0x64: {  	[tilespmem:s18+$0xFFFFFC10 ss:$0x9] =	vst.msk $0xffff, v4;
	v3 =	vld [tilespmem:s20+$0x450]  }
0x65: {  	[tilespmem:s18+$0xFFFFFCA0 ss:$0x9] =	vst.msk $0xffff, v2;
	v4 =	vld [tilespmem:s20+$0x460]  }
0x66: {  	v2 =	vld [tilespmem:s20+$0xFFFFF800];
	[tilespmem:s18+$0xFFFFFD30 ss:$0x9] =	vst.msk $0xffff, v5;
	s20 =	sadd.s32 $0x1000, s20  }
0x67: {  	s17 =	sadd.s32 $0x1, s17  }
0x68: {  	p1 =	sne.s32 s17, $0x8  }
.Ltmp4:
0x69: {  	[tilespmem:s18+$0xFFFFFDC0 ss:$0x9] =	vst.msk $0xffff, v0;
	(pc) =	sbr.rel @p1 .LBB1_3-.Ltmp4, $4  }
0x6a: {  	[tilespmem:s18+$0xFFFFFE50 ss:$0x9] =	vst.msk $0xffff, v1  }
0x6b: {  	[tilespmem:s18+$0xFFFFFEE0 ss:$0x9] =	vst.msk $0xffff, v3  }
0x6c: {  	[tilespmem:s18+$0xFFFFFF70 ss:$0x9] =	vst.msk $0xffff, v4  }
0x6d: {  	s15 =	sadd.s32 $0x1, s15;
	s16 =	sadd.s32 $0x80, s16;
	[tilespmem:s18+$0xFFFFEE90 ss:$0x9] =	vst.msk $0xffff, v2  }
0x6e: {  	s13 =	sshll.u32 s13, $0x7;
	s15 =	sshll.u32 s12, $0x3  }
0x6f: {  	s16 =	sand.u32 $0x1FFFFC00, s13;
	s15 =	sand.u32 $0x1FFFFC00, s15  }
0x70: {  	s13 =	sand.u32 $0x380, s13;
	s15 =	sadd.s32 s15, s16  }
.Ltmp5:
0x71: {  	s30 =	sshrl.u32 s12, $0x3;
	s13 =	sor.u32 s13, s15;
	(pc) =	sbr.rel .LBB1_7-.Ltmp5, $4  }
0x72: {  	s31 =	sand.u32 $0x7, s12;
	s15 =	sand.u32 $0xF, s30;
	s13 =	sshrl.u32 s13, $0x3  }
0x73: {  	s12 =	sshll.u32 s31, $0x12;
	s15 =	sadd.s32 s6, s15;
	s13 =	sand.u32 $0x3FFFFF0, s13  }
0x74: {  	s12 =	sor.u32 $0x8, s12;
	s13 =	sadd.s32 s13, s15  }
0x75: {  	[hbm4b:s13+s12] =	stream.strided.scatter [tilespmem:s14], [sflag:$0x2], $0x4000, s8, s12, $0x0;
	[tilespmem:$0x11000] =	vst v63  }
.LBB1_8:
0x76: {  	_ =	sfence.sel $0x180000  }
0x77: {  	s2 =	simm.s32 $0x1;
	[bflag:$0x0] =	sbarrier.arrive $0xFFFF  }
0x78: {  	s31 =	simm.s32 $0x2;
	[sflag:s2] =	ssyncpa.u1 $0x1  }
0x79: {  	[sflag:s31] =	ssyncpa.u1 $0x1  }
0x7a: {  	p0 =	sne.s32 s0, $0x0;
	_ =	strace $0x9000004A  }
0x7b: {  	s0 =	sadd.s32 @!p0 $0x100000, s1;
	[bflag:$0x2] =	sbarrier.arrive $0xFFFF  }
0x7c: {  	[sflag:s0] =	ssyncadd.tile.s32 @!p0 $0x1;
	_ =	shalt  }
.Lfunc_end1:
_tile_overlayer_lowered:
.L_overlay_start_2:
0x7d: {  	(tag) =	ssettag $0x2  }
0x7e: {  	s0 =	rddreg [dreg:$0x0];
	s2 =	stileid.u32  }
0x7f: {  	s1 =	rddreg [dreg:$0x1];
	p0 =	sne.s32 s2, $0x0  }
0x80: {  	s3 =	rddreg [dreg:$0x2];
	[bflag:$0x3] =	sbarrier.arrive $0xFFFF;
	s2 =	simm.s32 @!p0 $0x1C01  }
0x81: {  	[timem:s3], [sflag:s2] =	dma.local @!p0 [hbm:s0], s1  }
0x82: {  	s0 =	simm.s32 @!p0 $0x1  }
0x83: {  	_ =	swait.ge @!p0 [sflag:s0], s1  }
0x84: {  	s1 =	ssub.s32 @!p0 $0x0, s1;
	[sflag:s0] =	ssyncset.done @!p0 $0x0  }
0x85: {  	[sflag:s0] =	ssyncadd.s32 @!p0 s1  }
0x86: {  	[bflag:$0x3] =	sbarrier.arrive $0xFFFF  }
0x87: {  	_ =	shalt  }

</sc_bundles>
